<compile_context>
chip_gen: v7x
topology: tpu7x:2x2x1
jax: 0.10.2.dev20260603
libtpu: 0.0.44.dev20260713+nightly
codegen_flags: <defaults>
</compile_context>

<pallas_src>
import functools

import jax
import jax.numpy as jnp
from jax import lax
from jax.experimental import pallas as pl
from jax.experimental.pallas import tpu as pltpu
from jax.experimental.pallas import tpu_sc as plsc

_GAMMA = 24.0
_B = 16384
_D = 128
_NW = 32
_BPW = _B // _NW
_C = 32
_NCHUNK = _BPW // _C
_L = 16
_G = _D // _L


def _hsum_all_lanes(v, lane):
    for sh in (8, 4, 2, 1):
        perm = (lane + sh) & (_L - 1)
        v = v + v.at[perm].get(mode="promise_in_bounds")
    return v


def _sc_body(head_hbm, rel_hbm, tail_hbm, time_hbm,
             ent_hbm, rel_emb_hbm, time_emb_hbm, out_hbm,
             hidx_v, ridx_v, tidx_v, tauidx_v,
             h0, r0, t0, tau0, h1, r1, t1, tau1,
             out_v, sem0, sem1):
    wid = lax.axis_index("s") * 2 + lax.axis_index("c")
    base = wid * _BPW
    lane = lax.iota(jnp.int32, _L)

    pltpu.sync_copy(head_hbm.at[pl.ds(base, _BPW)], hidx_v)
    pltpu.sync_copy(rel_hbm.at[pl.ds(base, _BPW)], ridx_v)
    pltpu.sync_copy(tail_hbm.at[pl.ds(base, _BPW)], tidx_v)
    pltpu.sync_copy(time_hbm.at[pl.ds(base, _BPW)], tauidx_v)

    def _copies(j, bufs, sem):
        h_v, r_v, t_v, tau_v = bufs
        sl = pl.ds(j * _C, _C)
        return (
            pltpu.make_async_copy(ent_hbm.at[hidx_v.at[sl]], h_v, sem),
            pltpu.make_async_copy(ent_hbm.at[tidx_v.at[sl]], t_v, sem),
            pltpu.make_async_copy(rel_emb_hbm.at[ridx_v.at[sl]], r_v, sem),
            pltpu.make_async_copy(time_emb_hbm.at[tauidx_v.at[sl]], tau_v, sem),
        )

    def _issue(j, bufs, sem):
        for cp in _copies(j, bufs, sem):
            cp.start()

    def _drain(j, bufs, sem):
        for cp in _copies(j, bufs, sem):
            cp.wait()

    def _score(j, bufs):
        h_v, r_v, t_v, tau_v = bufs

        def blk_body(b, carry):
            def row_body(k, scores):
                i = b * _L + k
                accs = [None] * 4
                for g in range(_G):
                    sl = pl.ds(g * _L, _L)
                    term = jnp.abs((h_v[i, sl] + r_v[i, sl])
                                   + (tau_v[i, sl] - t_v[i, sl]))
                    a = accs[g % 4]
                    accs[g % 4] = term if a is None else a + term
                acc = (accs[0] + accs[1]) + (accs[2] + accs[3])
                tot = _hsum_all_lanes(acc, lane)
                return jnp.where(lane == k, _GAMMA - tot, scores)

            scores = lax.fori_loop(0, _L, row_body,
                                   jnp.zeros((_L,), jnp.float32))
            out_v[pl.ds(j * _C + b * _L, _L)] = scores
            return carry

        lax.fori_loop(0, _C // _L, blk_body, 0)

    set0 = (h0, r0, t0, tau0)
    set1 = (h1, r1, t1, tau1)

    _issue(0, set0, sem0)

    def m_body(m, carry):
        j0 = 2 * m
        _issue(j0 + 1, set1, sem1)
        _drain(j0, set0, sem0)
        _score(j0, set0)

        @pl.when(j0 + 2 < _NCHUNK)
        def _():
            _issue(j0 + 2, set0, sem0)

        _drain(j0 + 1, set1, sem1)
        _score(j0 + 1, set1)
        return carry

    lax.fori_loop(0, _NCHUNK // 2, m_body, 0)
    pltpu.sync_copy(out_v, out_hbm.at[pl.ds(base, _BPW)])


@functools.partial(
    pl.kernel,
    out_type=jax.ShapeDtypeStruct((_B,), jnp.float32),
    mesh=plsc.VectorSubcoreMesh(core_axis_name="c", subcore_axis_name="s"),
    scratch_types=(
        [pltpu.VMEM((_BPW,), jnp.int32)] * 4
        + [pltpu.VMEM((_C, _D), jnp.float32)] * 8
        + [pltpu.VMEM((_BPW,), jnp.float32)]
        + [pltpu.SemaphoreType.DMA] * 2
    ),
)
def _sc_kernel(*refs):
    _sc_body(*refs)


def kernel(head_index, relation_index, tail_index, time_index,
           entity_embedding, relation_embedding, time_embedding):
    return _sc_kernel(head_index.astype(jnp.int32),
                      relation_index.astype(jnp.int32),
                      tail_index.astype(jnp.int32),
                      time_index.astype(jnp.int32),
                      entity_embedding, relation_embedding, time_embedding)

# --- scband reference (transcript-rebuilt; emitter-appended) ---
"""Pipeline reference for scband-kgemodel-54769422959302 (READ-ONLY COPY).

The authoritative reference and input builder live on the scoring server;
editing this copy changes nothing except your own understanding.
"""

import jax, jax.numpy as jnp
import numpy as np

NENTITY = 1000000
NRELATION = 500
NTIME = 365
DIM = 128
BATCH = 16384
GAMMA = 24.0
EMB_RANGE = (GAMMA + 2.0) / DIM  # 0.203125


def setup_inputs(seed: int = 0) -> dict:
    key = jax.random.key(seed)
    k1, k2, k3, k4, k5, k6, k7 = jax.random.split(key, 7)
    head_index = jax.random.randint(k1, (BATCH,), 0, NENTITY)
    relation_index = jax.random.randint(k2, (BATCH,), 0, NRELATION)
    tail_index = jax.random.randint(k3, (BATCH,), 0, NENTITY)
    time_index = jax.random.randint(k4, (BATCH,), 0, NTIME)
    entity_embedding = jax.random.uniform(k5, (NENTITY, DIM), minval=-EMB_RANGE, maxval=EMB_RANGE, dtype=jnp.float32)
    relation_embedding = jax.random.uniform(k6, (NRELATION, DIM), minval=-EMB_RANGE, maxval=EMB_RANGE, dtype=jnp.float32)
    time_embedding = jax.random.uniform(k7, (NTIME, DIM), minval=-EMB_RANGE, maxval=EMB_RANGE, dtype=jnp.float32)
    return {
        "head_index": head_index,
        "relation_index": relation_index,
        "tail_index": tail_index,
        "time_index": time_index,
        "entity_embedding": entity_embedding,
        "relation_embedding": relation_embedding,
        "time_embedding": time_embedding,
    }


def reference(head_index, relation_index, tail_index, time_index,
              entity_embedding, relation_embedding, time_embedding):
    # KGEModel.forward, mode='single', model TTransE:
    #   gather head / relation / tail / time embeddings, then
    #   score = gamma - || h + r + tau - t ||_1
    h = jnp.take(entity_embedding, head_index, axis=0)      # [B, D]
    r = jnp.take(relation_embedding, relation_index, axis=0)  # [B, D]
    t = jnp.take(entity_embedding, tail_index, axis=0)      # [B, D]
    tau = jnp.take(time_embedding, time_index, axis=0)      # [B, D]
    score = GAMMA - jnp.sum(jnp.abs(h + r + tau - t), axis=-1)  # [B]
    return score

if __name__ == "__main__":
    import jax
    _d = setup_inputs()
    print(jax.jit(kernel)(*tuple(_d.values())))

</pallas_src>

<mosaic_0001>
#map = affine_map<(d0, d1) -> (0)>
#map1 = affine_map<(d0, d1) -> (0, 0)>
module attributes {stable_mosaic.version = 14 : i64} {
  func.func @_sc_kernel(%arg0: i32, %arg1: i32, %arg2: memref<16384xi32, #tpu.memory_space<hbm>>, %arg3: memref<16384xi32, #tpu.memory_space<hbm>>, %arg4: memref<16384xi32, #tpu.memory_space<hbm>>, %arg5: memref<16384xi32, #tpu.memory_space<hbm>>, %arg6: memref<1000000x128xf32, #tpu.memory_space<hbm>>, %arg7: memref<500x128xf32, #tpu.memory_space<hbm>>, %arg8: memref<365x128xf32, #tpu.memory_space<hbm>>, %arg9: memref<16384xf32, #tpu.memory_space<hbm>>, %arg10: memref<512xi32, #tpu.memory_space<vmem>>, %arg11: memref<512xi32, #tpu.memory_space<vmem>>, %arg12: memref<512xi32, #tpu.memory_space<vmem>>, %arg13: memref<512xi32, #tpu.memory_space<vmem>>, %arg14: memref<32x128xf32, #tpu.memory_space<vmem>>, %arg15: memref<32x128xf32, #tpu.memory_space<vmem>>, %arg16: memref<32x128xf32, #tpu.memory_space<vmem>>, %arg17: memref<32x128xf32, #tpu.memory_space<vmem>>, %arg18: memref<32x128xf32, #tpu.memory_space<vmem>>, %arg19: memref<32x128xf32, #tpu.memory_space<vmem>>, %arg20: memref<32x128xf32, #tpu.memory_space<vmem>>, %arg21: memref<32x128xf32, #tpu.memory_space<vmem>>, %arg22: memref<512xf32, #tpu.memory_space<vmem>>, %arg23: memref<!tpu.dma_semaphore, #tpu.memory_space<semaphore_mem>>, %arg24: memref<!tpu.dma_semaphore, #tpu.memory_space<semaphore_mem>>) attributes {dimension_semantics = [#tpu.dimension_semantics<core_parallel>, #tpu.dimension_semantics<subcore_parallel>], iteration_bounds = array<i64: 2, 16>, scalar_prefetch = 0 : i64, scratch_operands = 15 : i64, tpu.core_type = #tpu.core_type<sc_vector_subcore>, window_params = [{transform_indices = #map}, {transform_indices = #map}, {transform_indices = #map}, {transform_indices = #map}, {transform_indices = #map1}, {transform_indices = #map1}, {transform_indices = #map1}, {transform_indices = #map}]} {
    %mul3A = arith.constant 2 : i32
    %mul3A_0 = arith.muli %arg1, %mul3A : i32
    %add3A = arith.addi %mul3A_0, %arg0 : i32
    %mul3A_1 = arith.constant 512 : i32
    %mul3A_2 = arith.muli %add3A, %mul3A_1 : i32
    %iota3A = tpu.iota {dimensions = array<i32: 0>} : vector<16xi32>
    "tpu.region"() ({
      %run_scoped3A = tpu.sem_alloc : memref<!tpu.dma_semaphore, #tpu.memory_space<semaphore_mem>>
      %dma_start3A_27 = tpu.memref_slice %arg2[%mul3A_2] : memref<16384xi32, #tpu.memory_space<hbm>> -> memref<512xi32, #tpu.memory_space<hbm>>
      %dma_start3A_28 = tpu.memref_slice %arg2[%mul3A_2] : memref<16384xi32, #tpu.memory_space<hbm>> -> memref<512xi32, #tpu.memory_space<hbm>>
      tpu.enqueue_dma source(%dma_start3A_28 : memref<512xi32, #tpu.memory_space<hbm>>) target(%arg10 : memref<512xi32, #tpu.memory_space<vmem>>) target_semaphore(%run_scoped3A : memref<!tpu.dma_semaphore, #tpu.memory_space<semaphore_mem>>)
      %dma_wait3A = tpu.memref_slice %arg2[%mul3A_2] : memref<16384xi32, #tpu.memory_space<hbm>> -> memref<512xi32, #tpu.memory_space<hbm>>
      %dma_wait3A_29 = tpu.memref_slice %arg2[%mul3A_2] : memref<16384xi32, #tpu.memory_space<hbm>> -> memref<512xi32, #tpu.memory_space<hbm>>
      tpu.wait_dma2 semaphore(%run_scoped3A : memref<!tpu.dma_semaphore, #tpu.memory_space<semaphore_mem>>) src(%dma_wait3A_29 : memref<512xi32, #tpu.memory_space<hbm>>) dst(%arg10 : memref<512xi32, #tpu.memory_space<vmem>>)
      tpu.yield
    }) : () -> ()
    "tpu.region"() ({
      %run_scoped3A = tpu.sem_alloc : memref<!tpu.dma_semaphore, #tpu.memory_space<semaphore_mem>>
      %dma_start3A_27 = tpu.memref_slice %arg3[%mul3A_2] : memref<16384xi32, #tpu.memory_space<hbm>> -> memref<512xi32, #tpu.memory_space<hbm>>
      %dma_start3A_28 = tpu.memref_slice %arg3[%mul3A_2] : memref<16384xi32, #tpu.memory_space<hbm>> -> memref<512xi32, #tpu.memory_space<hbm>>
      tpu.enqueue_dma source(%dma_start3A_28 : memref<512xi32, #tpu.memory_space<hbm>>) target(%arg11 : memref<512xi32, #tpu.memory_space<vmem>>) target_semaphore(%run_scoped3A : memref<!tpu.dma_semaphore, #tpu.memory_space<semaphore_mem>>)
      %dma_wait3A = tpu.memref_slice %arg3[%mul3A_2] : memref<16384xi32, #tpu.memory_space<hbm>> -> memref<512xi32, #tpu.memory_space<hbm>>
      %dma_wait3A_29 = tpu.memref_slice %arg3[%mul3A_2] : memref<16384xi32, #tpu.memory_space<hbm>> -> memref<512xi32, #tpu.memory_space<hbm>>
      tpu.wait_dma2 semaphore(%run_scoped3A : memref<!tpu.dma_semaphore, #tpu.memory_space<semaphore_mem>>) src(%dma_wait3A_29 : memref<512xi32, #tpu.memory_space<hbm>>) dst(%arg11 : memref<512xi32, #tpu.memory_space<vmem>>)
      tpu.yield
    }) : () -> ()
    "tpu.region"() ({
      %run_scoped3A = tpu.sem_alloc : memref<!tpu.dma_semaphore, #tpu.memory_space<semaphore_mem>>
      %dma_start3A_27 = tpu.memref_slice %arg4[%mul3A_2] : memref<16384xi32, #tpu.memory_space<hbm>> -> memref<512xi32, #tpu.memory_space<hbm>>
      %dma_start3A_28 = tpu.memref_slice %arg4[%mul3A_2] : memref<16384xi32, #tpu.memory_space<hbm>> -> memref<512xi32, #tpu.memory_space<hbm>>
      tpu.enqueue_dma source(%dma_start3A_28 : memref<512xi32, #tpu.memory_space<hbm>>) target(%arg12 : memref<512xi32, #tpu.memory_space<vmem>>) target_semaphore(%run_scoped3A : memref<!tpu.dma_semaphore, #tpu.memory_space<semaphore_mem>>)
      %dma_wait3A = tpu.memref_slice %arg4[%mul3A_2] : memref<16384xi32, #tpu.memory_space<hbm>> -> memref<512xi32, #tpu.memory_space<hbm>>
      %dma_wait3A_29 = tpu.memref_slice %arg4[%mul3A_2] : memref<16384xi32, #tpu.memory_space<hbm>> -> memref<512xi32, #tpu.memory_space<hbm>>
      tpu.wait_dma2 semaphore(%run_scoped3A : memref<!tpu.dma_semaphore, #tpu.memory_space<semaphore_mem>>) src(%dma_wait3A_29 : memref<512xi32, #tpu.memory_space<hbm>>) dst(%arg12 : memref<512xi32, #tpu.memory_space<vmem>>)
      tpu.yield
    }) : () -> ()
    "tpu.region"() ({
      %run_scoped3A = tpu.sem_alloc : memref<!tpu.dma_semaphore, #tpu.memory_space<semaphore_mem>>
      %dma_start3A_27 = tpu.memref_slice %arg5[%mul3A_2] : memref<16384xi32, #tpu.memory_space<hbm>> -> memref<512xi32, #tpu.memory_space<hbm>>
      %dma_start3A_28 = tpu.memref_slice %arg5[%mul3A_2] : memref<16384xi32, #tpu.memory_space<hbm>> -> memref<512xi32, #tpu.memory_space<hbm>>
      tpu.enqueue_dma source(%dma_start3A_28 : memref<512xi32, #tpu.memory_space<hbm>>) target(%arg13 : memref<512xi32, #tpu.memory_space<vmem>>) target_semaphore(%run_scoped3A : memref<!tpu.dma_semaphore, #tpu.memory_space<semaphore_mem>>)
      %dma_wait3A = tpu.memref_slice %arg5[%mul3A_2] : memref<16384xi32, #tpu.memory_space<hbm>> -> memref<512xi32, #tpu.memory_space<hbm>>
      %dma_wait3A_29 = tpu.memref_slice %arg5[%mul3A_2] : memref<16384xi32, #tpu.memory_space<hbm>> -> memref<512xi32, #tpu.memory_space<hbm>>
      tpu.wait_dma2 semaphore(%run_scoped3A : memref<!tpu.dma_semaphore, #tpu.memory_space<semaphore_mem>>) src(%dma_wait3A_29 : memref<512xi32, #tpu.memory_space<hbm>>) dst(%arg13 : memref<512xi32, #tpu.memory_space<vmem>>)
      tpu.yield
    }) : () -> ()
    %dma_start3A = arith.constant 0 : i32
    %dma_start3A_3 = tpu.memref_slice %arg10[%dma_start3A] : memref<512xi32, #tpu.memory_space<vmem>> -> memref<32xi32, #tpu.memory_space<vmem>>
    %dma_start3A_4 = arith.constant 0 : i32
    %dma_start3A_5 = arith.constant 0 : i32
    %dma_start3A_6 = tpu.memref_slice %arg6[%dma_start3A_4, %dma_start3A_5] : memref<1000000x128xf32, #tpu.memory_space<hbm>> -> memref<1000000x128xf32, #tpu.memory_space<hbm>>
    tpu.enqueue_indirect_dma source(%dma_start3A_6 : memref<1000000x128xf32, #tpu.memory_space<hbm>>) target(%arg14 : memref<32x128xf32, #tpu.memory_space<vmem>>) offsets(%dma_start3A_3 : memref<32xi32, #tpu.memory_space<vmem>>) semaphore(%arg23 : memref<!tpu.dma_semaphore, #tpu.memory_space<semaphore_mem>>)
    %dma_start3A_7 = arith.constant 0 : i32
    %dma_start3A_8 = tpu.memref_slice %arg12[%dma_start3A_7] : memref<512xi32, #tpu.memory_space<vmem>> -> memref<32xi32, #tpu.memory_space<vmem>>
    %dma_start3A_9 = arith.constant 0 : i32
    %dma_start3A_10 = arith.constant 0 : i32
    %dma_start3A_11 = tpu.memref_slice %arg6[%dma_start3A_9, %dma_start3A_10] : memref<1000000x128xf32, #tpu.memory_space<hbm>> -> memref<1000000x128xf32, #tpu.memory_space<hbm>>
    tpu.enqueue_indirect_dma source(%dma_start3A_11 : memref<1000000x128xf32, #tpu.memory_space<hbm>>) target(%arg16 : memref<32x128xf32, #tpu.memory_space<vmem>>) offsets(%dma_start3A_8 : memref<32xi32, #tpu.memory_space<vmem>>) semaphore(%arg23 : memref<!tpu.dma_semaphore, #tpu.memory_space<semaphore_mem>>)
    %dma_start3A_12 = arith.constant 0 : i32
    %dma_start3A_13 = tpu.memref_slice %arg11[%dma_start3A_12] : memref<512xi32, #tpu.memory_space<vmem>> -> memref<32xi32, #tpu.memory_space<vmem>>
    %dma_start3A_14 = arith.constant 0 : i32
    %dma_start3A_15 = arith.constant 0 : i32
    %dma_start3A_16 = tpu.memref_slice %arg7[%dma_start3A_14, %dma_start3A_15] : memref<500x128xf32, #tpu.memory_space<hbm>> -> memref<500x128xf32, #tpu.memory_space<hbm>>
    tpu.enqueue_indirect_dma source(%dma_start3A_16 : memref<500x128xf32, #tpu.memory_space<hbm>>) target(%arg15 : memref<32x128xf32, #tpu.memory_space<vmem>>) offsets(%dma_start3A_13 : memref<32xi32, #tpu.memory_space<vmem>>) semaphore(%arg23 : memref<!tpu.dma_semaphore, #tpu.memory_space<semaphore_mem>>)
    %dma_start3A_17 = arith.constant 0 : i32
    %dma_start3A_18 = tpu.memref_slice %arg13[%dma_start3A_17] : memref<512xi32, #tpu.memory_space<vmem>> -> memref<32xi32, #tpu.memory_space<vmem>>
    %dma_start3A_19 = arith.constant 0 : i32
    %dma_start3A_20 = arith.constant 0 : i32
    %dma_start3A_21 = tpu.memref_slice %arg8[%dma_start3A_19, %dma_start3A_20] : memref<365x128xf32, #tpu.memory_space<hbm>> -> memref<365x128xf32, #tpu.memory_space<hbm>>
    tpu.enqueue_indirect_dma source(%dma_start3A_21 : memref<365x128xf32, #tpu.memory_space<hbm>>) target(%arg17 : memref<32x128xf32, #tpu.memory_space<vmem>>) offsets(%dma_start3A_18 : memref<32xi32, #tpu.memory_space<vmem>>) semaphore(%arg23 : memref<!tpu.dma_semaphore, #tpu.memory_space<semaphore_mem>>)
    %scan3A = arith.constant 0 : i32
    %scan3A_22 = arith.constant 0 : i32
    %scan3A_23 = arith.constant 8 : i32
    %scan3A_24 = arith.addi %scan3A_22, %scan3A_23 : i32
    %scan3A_25 = arith.constant 1 : i32
    scf.for %scan3A_27 = %scan3A_22 to %scan3A_24 step %scan3A_25  : i32 {
      %mul3A_28 = arith.constant 2 : i32
      %mul3A_29 = arith.muli %mul3A_28, %scan3A_27 : i32
      %add3A_30 = arith.constant 1 : i32
      %add3A_31 = arith.addi %mul3A_29, %add3A_30 : i32
      %mul3A_32 = arith.constant 32 : i32
      %mul3A_33 = arith.muli %add3A_31, %mul3A_32 : i32
      %dma_start3A_34 = tpu.memref_slice %arg10[%mul3A_33] : memref<512xi32, #tpu.memory_space<vmem>> -> memref<32xi32, #tpu.memory_space<vmem>>
      %dma_start3A_35 = arith.constant 0 : i32
      %dma_start3A_36 = arith.constant 0 : i32
      %dma_start3A_37 = tpu.memref_slice %arg6[%dma_start3A_35, %dma_start3A_36] : memref<1000000x128xf32, #tpu.memory_space<hbm>> -> memref<1000000x128xf32, #tpu.memory_space<hbm>>
      tpu.enqueue_indirect_dma source(%dma_start3A_37 : memref<1000000x128xf32, #tpu.memory_space<hbm>>) target(%arg18 : memref<32x128xf32, #tpu.memory_space<vmem>>) offsets(%dma_start3A_34 : memref<32xi32, #tpu.memory_space<vmem>>) semaphore(%arg24 : memref<!tpu.dma_semaphore, #tpu.memory_space<semaphore_mem>>)
      %dma_start3A_38 = tpu.memref_slice %arg12[%mul3A_33] : memref<512xi32, #tpu.memory_space<vmem>> -> memref<32xi32, #tpu.memory_space<vmem>>
      %dma_start3A_39 = arith.constant 0 : i32
      %dma_start3A_40 = arith.constant 0 : i32
      %dma_start3A_41 = tpu.memref_slice %arg6[%dma_start3A_39, %dma_start3A_40] : memref<1000000x128xf32, #tpu.memory_space<hbm>> -> memref<1000000x128xf32, #tpu.memory_space<hbm>>
      tpu.enqueue_indirect_dma source(%dma_start3A_41 : memref<1000000x128xf32, #tpu.memory_space<hbm>>) target(%arg20 : memref<32x128xf32, #tpu.memory_space<vmem>>) offsets(%dma_start3A_38 : memref<32xi32, #tpu.memory_space<vmem>>) semaphore(%arg24 : memref<!tpu.dma_semaphore, #tpu.memory_space<semaphore_mem>>)
      %dma_start3A_42 = tpu.memref_slice %arg11[%mul3A_33] : memref<512xi32, #tpu.memory_space<vmem>> -> memref<32xi32, #tpu.memory_space<vmem>>
      %dma_start3A_43 = arith.constant 0 : i32
      %dma_start3A_44 = arith.constant 0 : i32
      %dma_start3A_45 = tpu.memref_slice %arg7[%dma_start3A_43, %dma_start3A_44] : memref<500x128xf32, #tpu.memory_space<hbm>> -> memref<500x128xf32, #tpu.memory_space<hbm>>
      tpu.enqueue_indirect_dma source(%dma_start3A_45 : memref<500x128xf32, #tpu.memory_space<hbm>>) target(%arg19 : memref<32x128xf32, #tpu.memory_space<vmem>>) offsets(%dma_start3A_42 : memref<32xi32, #tpu.memory_space<vmem>>) semaphore(%arg24 : memref<!tpu.dma_semaphore, #tpu.memory_space<semaphore_mem>>)
      %dma_start3A_46 = tpu.memref_slice %arg13[%mul3A_33] : memref<512xi32, #tpu.memory_space<vmem>> -> memref<32xi32, #tpu.memory_space<vmem>>
      %dma_start3A_47 = arith.constant 0 : i32
      %dma_start3A_48 = arith.constant 0 : i32
      %dma_start3A_49 = tpu.memref_slice %arg8[%dma_start3A_47, %dma_start3A_48] : memref<365x128xf32, #tpu.memory_space<hbm>> -> memref<365x128xf32, #tpu.memory_space<hbm>>
      tpu.enqueue_indirect_dma source(%dma_start3A_49 : memref<365x128xf32, #tpu.memory_space<hbm>>) target(%arg21 : memref<32x128xf32, #tpu.memory_space<vmem>>) offsets(%dma_start3A_46 : memref<32xi32, #tpu.memory_space<vmem>>) semaphore(%arg24 : memref<!tpu.dma_semaphore, #tpu.memory_space<semaphore_mem>>)
      %mul3A_50 = arith.constant 32 : i32
      %mul3A_51 = arith.muli %mul3A_29, %mul3A_50 : i32
      %dma_wait3A = tpu.memref_slice %arg10[%mul3A_51] : memref<512xi32, #tpu.memory_space<vmem>> -> memref<32xi32, #tpu.memory_space<vmem>>
      %dma_wait3A_52 = arith.constant 0 : i32
      %dma_wait3A_53 = arith.constant 0 : i32
      %dma_wait3A_54 = tpu.memref_slice %arg6[%dma_wait3A_52, %dma_wait3A_53] : memref<1000000x128xf32, #tpu.memory_space<hbm>> -> memref<1000000x128xf32, #tpu.memory_space<hbm>>
      tpu.wait_indirect_dma semaphore(%arg23 : memref<!tpu.dma_semaphore, #tpu.memory_space<semaphore_mem>>) src(%dma_wait3A_54 : memref<1000000x128xf32, #tpu.memory_space<hbm>>) dst(%arg14 : memref<32x128xf32, #tpu.memory_space<vmem>>)
      %dma_wait3A_55 = tpu.memref_slice %arg12[%mul3A_51] : memref<512xi32, #tpu.memory_space<vmem>> -> memref<32xi32, #tpu.memory_space<vmem>>
      %dma_wait3A_56 = arith.constant 0 : i32
      %dma_wait3A_57 = arith.constant 0 : i32
      %dma_wait3A_58 = tpu.memref_slice %arg6[%dma_wait3A_56, %dma_wait3A_57] : memref<1000000x128xf32, #tpu.memory_space<hbm>> -> memref<1000000x128xf32, #tpu.memory_space<hbm>>
      tpu.wait_indirect_dma semaphore(%arg23 : memref<!tpu.dma_semaphore, #tpu.memory_space<semaphore_mem>>) src(%dma_wait3A_58 : memref<1000000x128xf32, #tpu.memory_space<hbm>>) dst(%arg16 : memref<32x128xf32, #tpu.memory_space<vmem>>)
      %dma_wait3A_59 = tpu.memref_slice %arg11[%mul3A_51] : memref<512xi32, #tpu.memory_space<vmem>> -> memref<32xi32, #tpu.memory_space<vmem>>
      %dma_wait3A_60 = arith.constant 0 : i32
      %dma_wait3A_61 = arith.constant 0 : i32
      %dma_wait3A_62 = tpu.memref_slice %arg7[%dma_wait3A_60, %dma_wait3A_61] : memref<500x128xf32, #tpu.memory_space<hbm>> -> memref<500x128xf32, #tpu.memory_space<hbm>>
      tpu.wait_indirect_dma semaphore(%arg23 : memref<!tpu.dma_semaphore, #tpu.memory_space<semaphore_mem>>) src(%dma_wait3A_62 : memref<500x128xf32, #tpu.memory_space<hbm>>) dst(%arg15 : memref<32x128xf32, #tpu.memory_space<vmem>>)
      %dma_wait3A_63 = tpu.memref_slice %arg13[%mul3A_51] : memref<512xi32, #tpu.memory_space<vmem>> -> memref<32xi32, #tpu.memory_space<vmem>>
      %dma_wait3A_64 = arith.constant 0 : i32
      %dma_wait3A_65 = arith.constant 0 : i32
      %dma_wait3A_66 = tpu.memref_slice %arg8[%dma_wait3A_64, %dma_wait3A_65] : memref<365x128xf32, #tpu.memory_space<hbm>> -> memref<365x128xf32, #tpu.memory_space<hbm>>
      tpu.wait_indirect_dma semaphore(%arg23 : memref<!tpu.dma_semaphore, #tpu.memory_space<semaphore_mem>>) src(%dma_wait3A_66 : memref<365x128xf32, #tpu.memory_space<hbm>>) dst(%arg17 : memref<32x128xf32, #tpu.memory_space<vmem>>)
      %scan3A_67 = arith.constant 0 : i32
      %scan3A_68 = arith.constant 0 : i32
      %scan3A_69 = arith.constant 2 : i32
      %scan3A_70 = arith.addi %scan3A_68, %scan3A_69 : i32
      %scan3A_71 = arith.constant 1 : i32
      scf.for %scan3A_105 = %scan3A_68 to %scan3A_70 step %scan3A_71  : i32 {
        %broadcast_in_dim3A = arith.constant 0.000000e+00 : f32
        %broadcast_in_dim3A_106 = vector.broadcast %broadcast_in_dim3A : f32 to vector<16xf32>
        %scan3A_107 = arith.constant 0 : i32
        %scan3A_108 = arith.constant 16 : i32
        %scan3A_109 = arith.addi %scan3A_107, %scan3A_108 : i32
        %scan3A_110 = arith.constant 1 : i32
        %scan3A_111 = scf.for %scan3A_121 = %scan3A_107 to %scan3A_109 step %scan3A_110 iter_args(%scan3A_122 = %broadcast_in_dim3A_106) -> (vector<16xf32>)  : i32 {
          %mul3A_123 = arith.constant 16 : i32
          %mul3A_124 = arith.muli %scan3A_105, %mul3A_123 : i32
          %add3A_125 = arith.addi %mul3A_124, %scan3A_121 : i32
          %get3A = arith.index_cast %add3A_125 : i32 to index
          %get3A_126 = arith.constant 0 : index
          %get3A_127 = tpu.vector_load %arg14[%get3A, %get3A_126] {strides = array<i32>} : memref<32x128xf32, #tpu.memory_space<vmem>>, vector<1x16xf32>,
          %get3A_128 = vector.shape_cast %get3A_127 : vector<1x16xf32> to vector<16xf32>
          %get3A_129 = arith.index_cast %add3A_125 : i32 to index
          %get3A_130 = arith.constant 0 : index
          %get3A_131 = tpu.vector_load %arg15[%get3A_129, %get3A_130] {strides = array<i32>} : memref<32x128xf32, #tpu.memory_space<vmem>>, vector<1x16xf32>,
          %get3A_132 = vector.shape_cast %get3A_131 : vector<1x16xf32> to vector<16xf32>
          %add3A_133 = arith.addf %get3A_128, %get3A_132 : vector<16xf32>
          %get3A_134 = arith.index_cast %add3A_125 : i32 to index
          %get3A_135 = arith.constant 0 : index
          %get3A_136 = tpu.vector_load %arg17[%get3A_134, %get3A_135] {strides = array<i32>} : memref<32x128xf32, #tpu.memory_space<vmem>>, vector<1x16xf32>,
          %get3A_137 = vector.shape_cast %get3A_136 : vector<1x16xf32> to vector<16xf32>
          %get3A_138 = arith.index_cast %add3A_125 : i32 to index
          %get3A_139 = arith.constant 0 : index
          %get3A_140 = tpu.vector_load %arg16[%get3A_138, %get3A_139] {strides = array<i32>} : memref<32x128xf32, #tpu.memory_space<vmem>>, vector<1x16xf32>,
          %get3A_141 = vector.shape_cast %get3A_140 : vector<1x16xf32> to vector<16xf32>
          %sub3A = arith.subf %get3A_137, %get3A_141 : vector<16xf32>
          %add3A_142 = arith.addf %add3A_133, %sub3A : vector<16xf32>
          %abs3A = math.absf %add3A_142 : vector<16xf32>
          %get3A_143 = arith.index_cast %add3A_125 : i32 to index
          %get3A_144 = arith.constant 16 : index
          %get3A_145 = tpu.vector_load %arg14[%get3A_143, %get3A_144] {strides = array<i32>} : memref<32x128xf32, #tpu.memory_space<vmem>>, vector<1x16xf32>,
          %get3A_146 = vector.shape_cast %get3A_145 : vector<1x16xf32> to vector<16xf32>
          %get3A_147 = arith.index_cast %add3A_125 : i32 to index
          %get3A_148 = arith.constant 16 : index
          %get3A_149 = tpu.vector_load %arg15[%get3A_147, %get3A_148] {strides = array<i32>} : memref<32x128xf32, #tpu.memory_space<vmem>>, vector<1x16xf32>,
          %get3A_150 = vector.shape_cast %get3A_149 : vector<1x16xf32> to vector<16xf32>
          %add3A_151 = arith.addf %get3A_146, %get3A_150 : vector<16xf32>
          %get3A_152 = arith.index_cast %add3A_125 : i32 to index
          %get3A_153 = arith.constant 16 : index
          %get3A_154 = tpu.vector_load %arg17[%get3A_152, %get3A_153] {strides = array<i32>} : memref<32x128xf32, #tpu.memory_space<vmem>>, vector<1x16xf32>,
          %get3A_155 = vector.shape_cast %get3A_154 : vector<1x16xf32> to vector<16xf32>
          %get3A_156 = arith.index_cast %add3A_125 : i32 to index
          %get3A_157 = arith.constant 16 : index
          %get3A_158 = tpu.vector_load %arg16[%get3A_156, %get3A_157] {strides = array<i32>} : memref<32x128xf32, #tpu.memory_space<vmem>>, vector<1x16xf32>,
          %get3A_159 = vector.shape_cast %get3A_158 : vector<1x16xf32> to vector<16xf32>
          %sub3A_160 = arith.subf %get3A_155, %get3A_159 : vector<16xf32>
          %add3A_161 = arith.addf %add3A_151, %sub3A_160 : vector<16xf32>
          %abs3A_162 = math.absf %add3A_161 : vector<16xf32>
          %get3A_163 = arith.index_cast %add3A_125 : i32 to index
          %get3A_164 = arith.constant 32 : index
          %get3A_165 = tpu.vector_load %arg14[%get3A_163, %get3A_164] {strides = array<i32>} : memref<32x128xf32, #tpu.memory_space<vmem>>, vector<1x16xf32>,
          %get3A_166 = vector.shape_cast %get3A_165 : vector<1x16xf32> to vector<16xf32>
          %get3A_167 = arith.index_cast %add3A_125 : i32 to index
          %get3A_168 = arith.constant 32 : index
          %get3A_169 = tpu.vector_load %arg15[%get3A_167, %get3A_168] {strides = array<i32>} : memref<32x128xf32, #tpu.memory_space<vmem>>, vector<1x16xf32>,
          %get3A_170 = vector.shape_cast %get3A_169 : vector<1x16xf32> to vector<16xf32>
          %add3A_171 = arith.addf %get3A_166, %get3A_170 : vector<16xf32>
          %get3A_172 = arith.index_cast %add3A_125 : i32 to index
          %get3A_173 = arith.constant 32 : index
          %get3A_174 = tpu.vector_load %arg17[%get3A_172, %get3A_173] {strides = array<i32>} : memref<32x128xf32, #tpu.memory_space<vmem>>, vector<1x16xf32>,
          %get3A_175 = vector.shape_cast %get3A_174 : vector<1x16xf32> to vector<16xf32>
          %get3A_176 = arith.index_cast %add3A_125 : i32 to index
          %get3A_177 = arith.constant 32 : index
          %get3A_178 = tpu.vector_load %arg16[%get3A_176, %get3A_177] {strides = array<i32>} : memref<32x128xf32, #tpu.memory_space<vmem>>, vector<1x16xf32>,
          %get3A_179 = vector.shape_cast %get3A_178 : vector<1x16xf32> to vector<16xf32>
          %sub3A_180 = arith.subf %get3A_175, %get3A_179 : vector<16xf32>
          %add3A_181 = arith.addf %add3A_171, %sub3A_180 : vector<16xf32>
          %abs3A_182 = math.absf %add3A_181 : vector<16xf32>
          %get3A_183 = arith.index_cast %add3A_125 : i32 to index
          %get3A_184 = arith.constant 48 : index
          %get3A_185 = tpu.vector_load %arg14[%get3A_183, %get3A_184] {strides = array<i32>} : memref<32x128xf32, #tpu.memory_space<vmem>>, vector<1x16xf32>,
          %get3A_186 = vector.shape_cast %get3A_185 : vector<1x16xf32> to vector<16xf32>
          %get3A_187 = arith.index_cast %add3A_125 : i32 to index
          %get3A_188 = arith.constant 48 : index
          %get3A_189 = tpu.vector_load %arg15[%get3A_187, %get3A_188] {strides = array<i32>} : memref<32x128xf32, #tpu.memory_space<vmem>>, vector<1x16xf32>,
          %get3A_190 = vector.shape_cast %get3A_189 : vector<1x16xf32> to vector<16xf32>
          %add3A_191 = arith.addf %get3A_186, %get3A_190 : vector<16xf32>
          %get3A_192 = arith.index_cast %add3A_125 : i32 to index
          %get3A_193 = arith.constant 48 : index
          %get3A_194 = tpu.vector_load %arg17[%get3A_192, %get3A_193] {strides = array<i32>} : memref<32x128xf32, #tpu.memory_space<vmem>>, vector<1x16xf32>,
          %get3A_195 = vector.shape_cast %get3A_194 : vector<1x16xf32> to vector<16xf32>
          %get3A_196 = arith.index_cast %add3A_125 : i32 to index
          %get3A_197 = arith.constant 48 : index
          %get3A_198 = tpu.vector_load %arg16[%get3A_196, %get3A_197] {strides = array<i32>} : memref<32x128xf32, #tpu.memory_space<vmem>>, vector<1x16xf32>,
          %get3A_199 = vector.shape_cast %get3A_198 : vector<1x16xf32> to vector<16xf32>
          %sub3A_200 = arith.subf %get3A_195, %get3A_199 : vector<16xf32>
          %add3A_201 = arith.addf %add3A_191, %sub3A_200 : vector<16xf32>
          %abs3A_202 = math.absf %add3A_201 : vector<16xf32>
          %get3A_203 = arith.index_cast %add3A_125 : i32 to index
          %get3A_204 = arith.constant 64 : index
          %get3A_205 = tpu.vector_load %arg14[%get3A_203, %get3A_204] {strides = array<i32>} : memref<32x128xf32, #tpu.memory_space<vmem>>, vector<1x16xf32>,
          %get3A_206 = vector.shape_cast %get3A_205 : vector<1x16xf32> to vector<16xf32>
          %get3A_207 = arith.index_cast %add3A_125 : i32 to index
          %get3A_208 = arith.constant 64 : index
          %get3A_209 = tpu.vector_load %arg15[%get3A_207, %get3A_208] {strides = array<i32>} : memref<32x128xf32, #tpu.memory_space<vmem>>, vector<1x16xf32>,
          %get3A_210 = vector.shape_cast %get3A_209 : vector<1x16xf32> to vector<16xf32>
          %add3A_211 = arith.addf %get3A_206, %get3A_210 : vector<16xf32>
          %get3A_212 = arith.index_cast %add3A_125 : i32 to index
          %get3A_213 = arith.constant 64 : index
          %get3A_214 = tpu.vector_load %arg17[%get3A_212, %get3A_213] {strides = array<i32>} : memref<32x128xf32, #tpu.memory_space<vmem>>, vector<1x16xf32>,
          %get3A_215 = vector.shape_cast %get3A_214 : vector<1x16xf32> to vector<16xf32>
          %get3A_216 = arith.index_cast %add3A_125 : i32 to index
          %get3A_217 = arith.constant 64 : index
          %get3A_218 = tpu.vector_load %arg16[%get3A_216, %get3A_217] {strides = array<i32>} : memref<32x128xf32, #tpu.memory_space<vmem>>, vector<1x16xf32>,
          %get3A_219 = vector.shape_cast %get3A_218 : vector<1x16xf32> to vector<16xf32>
          %sub3A_220 = arith.subf %get3A_215, %get3A_219 : vector<16xf32>
          %add3A_221 = arith.addf %add3A_211, %sub3A_220 : vector<16xf32>
          %abs3A_222 = math.absf %add3A_221 : vector<16xf32>
          %add3A_223 = arith.addf %abs3A, %abs3A_222 : vector<16xf32>
          %get3A_224 = arith.index_cast %add3A_125 : i32 to index
          %get3A_225 = arith.constant 80 : index
          %get3A_226 = tpu.vector_load %arg14[%get3A_224, %get3A_225] {strides = array<i32>} : memref<32x128xf32, #tpu.memory_space<vmem>>, vector<1x16xf32>,
          %get3A_227 = vector.shape_cast %get3A_226 : vector<1x16xf32> to vector<16xf32>
          %get3A_228 = arith.index_cast %add3A_125 : i32 to index
          %get3A_229 = arith.constant 80 : index
          %get3A_230 = tpu.vector_load %arg15[%get3A_228, %get3A_229] {strides = array<i32>} : memref<32x128xf32, #tpu.memory_space<vmem>>, vector<1x16xf32>,
          %get3A_231 = vector.shape_cast %get3A_230 : vector<1x16xf32> to vector<16xf32>
          %add3A_232 = arith.addf %get3A_227, %get3A_231 : vector<16xf32>
          %get3A_233 = arith.index_cast %add3A_125 : i32 to index
          %get3A_234 = arith.constant 80 : index
          %get3A_235 = tpu.vector_load %arg17[%get3A_233, %get3A_234] {strides = array<i32>} : memref<32x128xf32, #tpu.memory_space<vmem>>, vector<1x16xf32>,
          %get3A_236 = vector.shape_cast %get3A_235 : vector<1x16xf32> to vector<16xf32>
          %get3A_237 = arith.index_cast %add3A_125 : i32 to index
          %get3A_238 = arith.constant 80 : index
          %get3A_239 = tpu.vector_load %arg16[%get3A_237, %get3A_238] {strides = array<i32>} : memref<32x128xf32, #tpu.memory_space<vmem>>, vector<1x16xf32>,
          %get3A_240 = vector.shape_cast %get3A_239 : vector<1x16xf32> to vector<16xf32>
          %sub3A_241 = arith.subf %get3A_236, %get3A_240 : vector<16xf32>
          %add3A_242 = arith.addf %add3A_232, %sub3A_241 : vector<16xf32>
          %abs3A_243 = math.absf %add3A_242 : vector<16xf32>
          %add3A_244 = arith.addf %abs3A_162, %abs3A_243 : vector<16xf32>
          %get3A_245 = arith.index_cast %add3A_125 : i32 to index
          %get3A_246 = arith.constant 96 : index
          %get3A_247 = tpu.vector_load %arg14[%get3A_245, %get3A_246] {strides = array<i32>} : memref<32x128xf32, #tpu.memory_space<vmem>>, vector<1x16xf32>,
          %get3A_248 = vector.shape_cast %get3A_247 : vector<1x16xf32> to vector<16xf32>
          %get3A_249 = arith.index_cast %add3A_125 : i32 to index
          %get3A_250 = arith.constant 96 : index
          %get3A_251 = tpu.vector_load %arg15[%get3A_249, %get3A_250] {strides = array<i32>} : memref<32x128xf32, #tpu.memory_space<vmem>>, vector<1x16xf32>,
          %get3A_252 = vector.shape_cast %get3A_251 : vector<1x16xf32> to vector<16xf32>
          %add3A_253 = arith.addf %get3A_248, %get3A_252 : vector<16xf32>
          %get3A_254 = arith.index_cast %add3A_125 : i32 to index
          %get3A_255 = arith.constant 96 : index
          %get3A_256 = tpu.vector_load %arg17[%get3A_254, %get3A_255] {strides = array<i32>} : memref<32x128xf32, #tpu.memory_space<vmem>>, vector<1x16xf32>,
          %get3A_257 = vector.shape_cast %get3A_256 : vector<1x16xf32> to vector<16xf32>
          %get3A_258 = arith.index_cast %add3A_125 : i32 to index
          %get3A_259 = arith.constant 96 : index
          %get3A_260 = tpu.vector_load %arg16[%get3A_258, %get3A_259] {strides = array<i32>} : memref<32x128xf32, #tpu.memory_space<vmem>>, vector<1x16xf32>,
          %get3A_261 = vector.shape_cast %get3A_260 : vector<1x16xf32> to vector<16xf32>
          %sub3A_262 = arith.subf %get3A_257, %get3A_261 : vector<16xf32>
          %add3A_263 = arith.addf %add3A_253, %sub3A_262 : vector<16xf32>
          %abs3A_264 = math.absf %add3A_263 : vector<16xf32>
          %add3A_265 = arith.addf %abs3A_182, %abs3A_264 : vector<16xf32>
          %get3A_266 = arith.index_cast %add3A_125 : i32 to index
          %get3A_267 = arith.constant 112 : index
          %get3A_268 = tpu.vector_load %arg14[%get3A_266, %get3A_267] {strides = array<i32>} : memref<32x128xf32, #tpu.memory_space<vmem>>, vector<1x16xf32>,
          %get3A_269 = vector.shape_cast %get3A_268 : vector<1x16xf32> to vector<16xf32>
          %get3A_270 = arith.index_cast %add3A_125 : i32 to index
          %get3A_271 = arith.constant 112 : index
          %get3A_272 = tpu.vector_load %arg15[%get3A_270, %get3A_271] {strides = array<i32>} : memref<32x128xf32, #tpu.memory_space<vmem>>, vector<1x16xf32>,
          %get3A_273 = vector.shape_cast %get3A_272 : vector<1x16xf32> to vector<16xf32>
          %add3A_274 = arith.addf %get3A_269, %get3A_273 : vector<16xf32>
          %get3A_275 = arith.index_cast %add3A_125 : i32 to index
          %get3A_276 = arith.constant 112 : index
          %get3A_277 = tpu.vector_load %arg17[%get3A_275, %get3A_276] {strides = array<i32>} : memref<32x128xf32, #tpu.memory_space<vmem>>, vector<1x16xf32>,
          %get3A_278 = vector.shape_cast %get3A_277 : vector<1x16xf32> to vector<16xf32>
          %get3A_279 = arith.index_cast %add3A_125 : i32 to index
          %get3A_280 = arith.constant 112 : index
          %get3A_281 = tpu.vector_load %arg16[%get3A_279, %get3A_280] {strides = array<i32>} : memref<32x128xf32, #tpu.memory_space<vmem>>, vector<1x16xf32>,
          %get3A_282 = vector.shape_cast %get3A_281 : vector<1x16xf32> to vector<16xf32>
          %sub3A_283 = arith.subf %get3A_278, %get3A_282 : vector<16xf32>
          %add3A_284 = arith.addf %add3A_274, %sub3A_283 : vector<16xf32>
          %abs3A_285 = math.absf %add3A_284 : vector<16xf32>
          %add3A_286 = arith.addf %abs3A_202, %abs3A_285 : vector<16xf32>
          %add3A_287 = arith.addf %add3A_223, %add3A_244 : vector<16xf32>
          %add3A_288 = arith.addf %add3A_265, %add3A_286 : vector<16xf32>
          %add3A_289 = arith.addf %add3A_287, %add3A_288 : vector<16xf32>
          %add3A_290 = arith.constant 8 : i32
          %add3A_291 = vector.broadcast %add3A_290 : i32 to vector<16xi32>
          %add3A_292 = arith.addi %iota3A, %add3A_291 : vector<16xi32>
          %and3A = arith.constant 15 : i32
          %and3A_293 = vector.broadcast %and3A : i32 to vector<16xi32>
          %and3A_294 = arith.andi %add3A_292, %and3A_293 : vector<16xi32>
          %lt3A_295 = arith.constant 0 : i32
          %lt3A_296 = vector.broadcast %lt3A_295 : i32 to vector<16xi32>
          %lt3A_297 = arith.cmpi slt, %and3A_294, %lt3A_296 : vector<16xi32>
          %add3A_298 = arith.constant 16 : i32
          %add3A_299 = vector.broadcast %add3A_298 : i32 to vector<16xi32>
          %add3A_300 = arith.addi %and3A_294, %add3A_299 : vector<16xi32>
          %select_n3A = arith.select %lt3A_297, %add3A_300, %and3A_294 : vector<16xi1>, vector<16xi32>
          %broadcast_in_dim3A_301 = vector.shape_cast %select_n3A : vector<16xi32> to vector<16x1xi32>
          %gather3A = vector.shape_cast %broadcast_in_dim3A_301 : vector<16x1xi32> to vector<16xi32>
          %gather3A_302 = tpu.dynamic_gather %add3A_289[%gather3A] in [0] : vector<16xf32>, vector<16xi32> -> vector<16xf32>
          %add3A_303 = arith.addf %add3A_289, %gather3A_302 : vector<16xf32>
          %add3A_304 = arith.constant 4 : i32
          %add3A_305 = vector.broadcast %add3A_304 : i32 to vector<16xi32>
          %add3A_306 = arith.addi %iota3A, %add3A_305 : vector<16xi32>
          %and3A_307 = arith.constant 15 : i32
          %and3A_308 = vector.broadcast %and3A_307 : i32 to vector<16xi32>
          %and3A_309 = arith.andi %add3A_306, %and3A_308 : vector<16xi32>
          %lt3A_310 = arith.constant 0 : i32
          %lt3A_311 = vector.broadcast %lt3A_310 : i32 to vector<16xi32>
          %lt3A_312 = arith.cmpi slt, %and3A_309, %lt3A_311 : vector<16xi32>
          %add3A_313 = arith.constant 16 : i32
          %add3A_314 = vector.broadcast %add3A_313 : i32 to vector<16xi32>
          %add3A_315 = arith.addi %and3A_309, %add3A_314 : vector<16xi32>
          %select_n3A_316 = arith.select %lt3A_312, %add3A_315, %and3A_309 : vector<16xi1>, vector<16xi32>
          %broadcast_in_dim3A_317 = vector.shape_cast %select_n3A_316 : vector<16xi32> to vector<16x1xi32>
          %gather3A_318 = vector.shape_cast %broadcast_in_dim3A_317 : vector<16x1xi32> to vector<16xi32>
          %gather3A_319 = tpu.dynamic_gather %add3A_303[%gather3A_318] in [0] : vector<16xf32>, vector<16xi32> -> vector<16xf32>
          %add3A_320 = arith.addf %add3A_303, %gather3A_319 : vector<16xf32>
          %add3A_321 = arith.constant 2 : i32
          %add3A_322 = vector.broadcast %add3A_321 : i32 to vector<16xi32>
          %add3A_323 = arith.addi %iota3A, %add3A_322 : vector<16xi32>
          %and3A_324 = arith.constant 15 : i32
          %and3A_325 = vector.broadcast %and3A_324 : i32 to vector<16xi32>
          %and3A_326 = arith.andi %add3A_323, %and3A_325 : vector<16xi32>
          %lt3A_327 = arith.constant 0 : i32
          %lt3A_328 = vector.broadcast %lt3A_327 : i32 to vector<16xi32>
          %lt3A_329 = arith.cmpi slt, %and3A_326, %lt3A_328 : vector<16xi32>
          %add3A_330 = arith.constant 16 : i32
          %add3A_331 = vector.broadcast %add3A_330 : i32 to vector<16xi32>
          %add3A_332 = arith.addi %and3A_326, %add3A_331 : vector<16xi32>
          %select_n3A_333 = arith.select %lt3A_329, %add3A_332, %and3A_326 : vector<16xi1>, vector<16xi32>
          %broadcast_in_dim3A_334 = vector.shape_cast %select_n3A_333 : vector<16xi32> to vector<16x1xi32>
          %gather3A_335 = vector.shape_cast %broadcast_in_dim3A_334 : vector<16x1xi32> to vector<16xi32>
          %gather3A_336 = tpu.dynamic_gather %add3A_320[%gather3A_335] in [0] : vector<16xf32>, vector<16xi32> -> vector<16xf32>
          %add3A_337 = arith.addf %add3A_320, %gather3A_336 : vector<16xf32>
          %add3A_338 = arith.constant 1 : i32
          %add3A_339 = vector.broadcast %add3A_338 : i32 to vector<16xi32>
          %add3A_340 = arith.addi %iota3A, %add3A_339 : vector<16xi32>
          %and3A_341 = arith.constant 15 : i32
          %and3A_342 = vector.broadcast %and3A_341 : i32 to vector<16xi32>
          %and3A_343 = arith.andi %add3A_340, %and3A_342 : vector<16xi32>
          %lt3A_344 = arith.constant 0 : i32
          %lt3A_345 = vector.broadcast %lt3A_344 : i32 to vector<16xi32>
          %lt3A_346 = arith.cmpi slt, %and3A_343, %lt3A_345 : vector<16xi32>
          %add3A_347 = arith.constant 16 : i32
          %add3A_348 = vector.broadcast %add3A_347 : i32 to vector<16xi32>
          %add3A_349 = arith.addi %and3A_343, %add3A_348 : vector<16xi32>
          %select_n3A_350 = arith.select %lt3A_346, %add3A_349, %and3A_343 : vector<16xi1>, vector<16xi32>
          %broadcast_in_dim3A_351 = vector.shape_cast %select_n3A_350 : vector<16xi32> to vector<16x1xi32>
          %gather3A_352 = vector.shape_cast %broadcast_in_dim3A_351 : vector<16x1xi32> to vector<16xi32>
          %gather3A_353 = tpu.dynamic_gather %add3A_337[%gather3A_352] in [0] : vector<16xf32>, vector<16xi32> -> vector<16xf32>
          %add3A_354 = arith.addf %add3A_337, %gather3A_353 : vector<16xf32>
          %eq3A = vector.broadcast %scan3A_121 : i32 to vector<16xi32>
          %eq3A_355 = arith.cmpi eq, %iota3A, %eq3A : vector<16xi32>
          %sub3A_356 = arith.constant 2.400000e+01 : f32
          %sub3A_357 = vector.broadcast %sub3A_356 : f32 to vector<16xf32>
          %sub3A_358 = arith.subf %sub3A_357, %add3A_354 : vector<16xf32>
          %select_n3A_359 = arith.select %eq3A_355, %sub3A_358, %scan3A_122 : vector<16xi1>, vector<16xf32>
          scf.yield %select_n3A_359 : vector<16xf32>
        }
        %scan3A_112 = arith.constant 16 : i32
        %mul3A_113 = arith.constant 32 : i32
        %mul3A_114 = arith.muli %mul3A_29, %mul3A_113 : i32
        %mul3A_115 = arith.constant 16 : i32
        %mul3A_116 = arith.muli %scan3A_105, %mul3A_115 : i32
        %add3A_117 = arith.addi %mul3A_114, %mul3A_116 : i32
        %swap3A = arith.index_cast %add3A_117 : i32 to index
        %swap3A_118 = tpu.vector_load %arg22[%swap3A] {strides = array<i32>} : memref<512xf32, #tpu.memory_space<vmem>>, vector<16xf32>,
        %swap3A_119 = vector.shape_cast %swap3A_118 : vector<16xf32> to vector<16xf32>
        %swap3A_120 = vector.shape_cast %scan3A_111 : vector<16xf32> to vector<16xf32>
        tpu.vector_store %arg22[%swap3A], %swap3A_120 {strides = array<i32>} : memref<512xf32, #tpu.memory_space<vmem>>, vector<16xf32>,
      }
      %scan3A_72 = arith.constant 2 : i32
      %add3A_73 = arith.constant 2 : i32
      %add3A_74 = arith.addi %mul3A_29, %add3A_73 : i32
      %lt3A = arith.constant 16 : i32
      %lt3A_75 = arith.cmpi slt, %add3A_74, %lt3A : i32
      %convert_element_type3A = arith.extui %lt3A_75 : i1 to i32
      %cond3A = arith.constant 0 : i32
      %cond3A_76 = arith.cmpi ne, %convert_element_type3A, %cond3A : i32
      scf.if %cond3A_76 {
        %add3A_105 = arith.constant 2 : i32
        %add3A_106 = arith.addi %mul3A_29, %add3A_105 : i32
        %mul3A_107 = arith.constant 32 : i32
        %mul3A_108 = arith.muli %add3A_106, %mul3A_107 : i32
        %dma_start3A_109 = tpu.memref_slice %arg10[%mul3A_108] : memref<512xi32, #tpu.memory_space<vmem>> -> memref<32xi32, #tpu.memory_space<vmem>>
        %dma_start3A_110 = arith.constant 0 : i32
        %dma_start3A_111 = arith.constant 0 : i32
        %dma_start3A_112 = tpu.memref_slice %arg6[%dma_start3A_110, %dma_start3A_111] : memref<1000000x128xf32, #tpu.memory_space<hbm>> -> memref<1000000x128xf32, #tpu.memory_space<hbm>>
        tpu.enqueue_indirect_dma source(%dma_start3A_112 : memref<1000000x128xf32, #tpu.memory_space<hbm>>) target(%arg14 : memref<32x128xf32, #tpu.memory_space<vmem>>) offsets(%dma_start3A_109 : memref<32xi32, #tpu.memory_space<vmem>>) semaphore(%arg23 : memref<!tpu.dma_semaphore, #tpu.memory_space<semaphore_mem>>)
        %dma_start3A_113 = tpu.memref_slice %arg12[%mul3A_108] : memref<512xi32, #tpu.memory_space<vmem>> -> memref<32xi32, #tpu.memory_space<vmem>>
        %dma_start3A_114 = arith.constant 0 : i32
        %dma_start3A_115 = arith.constant 0 : i32
        %dma_start3A_116 = tpu.memref_slice %arg6[%dma_start3A_114, %dma_start3A_115] : memref<1000000x128xf32, #tpu.memory_space<hbm>> -> memref<1000000x128xf32, #tpu.memory_space<hbm>>
        tpu.enqueue_indirect_dma source(%dma_start3A_116 : memref<1000000x128xf32, #tpu.memory_space<hbm>>) target(%arg16 : memref<32x128xf32, #tpu.memory_space<vmem>>) offsets(%dma_start3A_113 : memref<32xi32, #tpu.memory_space<vmem>>) semaphore(%arg23 : memref<!tpu.dma_semaphore, #tpu.memory_space<semaphore_mem>>)
        %dma_start3A_117 = tpu.memref_slice %arg11[%mul3A_108] : memref<512xi32, #tpu.memory_space<vmem>> -> memref<32xi32, #tpu.memory_space<vmem>>
        %dma_start3A_118 = arith.constant 0 : i32
        %dma_start3A_119 = arith.constant 0 : i32
        %dma_start3A_120 = tpu.memref_slice %arg7[%dma_start3A_118, %dma_start3A_119] : memref<500x128xf32, #tpu.memory_space<hbm>> -> memref<500x128xf32, #tpu.memory_space<hbm>>
        tpu.enqueue_indirect_dma source(%dma_start3A_120 : memref<500x128xf32, #tpu.memory_space<hbm>>) target(%arg15 : memref<32x128xf32, #tpu.memory_space<vmem>>) offsets(%dma_start3A_117 : memref<32xi32, #tpu.memory_space<vmem>>) semaphore(%arg23 : memref<!tpu.dma_semaphore, #tpu.memory_space<semaphore_mem>>)
        %dma_start3A_121 = tpu.memref_slice %arg13[%mul3A_108] : memref<512xi32, #tpu.memory_space<vmem>> -> memref<32xi32, #tpu.memory_space<vmem>>
        %dma_start3A_122 = arith.constant 0 : i32
        %dma_start3A_123 = arith.constant 0 : i32
        %dma_start3A_124 = tpu.memref_slice %arg8[%dma_start3A_122, %dma_start3A_123] : memref<365x128xf32, #tpu.memory_space<hbm>> -> memref<365x128xf32, #tpu.memory_space<hbm>>
        tpu.enqueue_indirect_dma source(%dma_start3A_124 : memref<365x128xf32, #tpu.memory_space<hbm>>) target(%arg17 : memref<32x128xf32, #tpu.memory_space<vmem>>) offsets(%dma_start3A_121 : memref<32xi32, #tpu.memory_space<vmem>>) semaphore(%arg23 : memref<!tpu.dma_semaphore, #tpu.memory_space<semaphore_mem>>)
      } else {
      }
      %add3A_77 = arith.constant 1 : i32
      %add3A_78 = arith.addi %mul3A_29, %add3A_77 : i32
      %mul3A_79 = arith.constant 32 : i32
      %mul3A_80 = arith.muli %add3A_78, %mul3A_79 : i32
      %dma_wait3A_81 = tpu.memref_slice %arg10[%mul3A_80] : memref<512xi32, #tpu.memory_space<vmem>> -> memref<32xi32, #tpu.memory_space<vmem>>
      %dma_wait3A_82 = arith.constant 0 : i32
      %dma_wait3A_83 = arith.constant 0 : i32
      %dma_wait3A_84 = tpu.memref_slice %arg6[%dma_wait3A_82, %dma_wait3A_83] : memref<1000000x128xf32, #tpu.memory_space<hbm>> -> memref<1000000x128xf32, #tpu.memory_space<hbm>>
      tpu.wait_indirect_dma semaphore(%arg24 : memref<!tpu.dma_semaphore, #tpu.memory_space<semaphore_mem>>) src(%dma_wait3A_84 : memref<1000000x128xf32, #tpu.memory_space<hbm>>) dst(%arg18 : memref<32x128xf32, #tpu.memory_space<vmem>>)
      %dma_wait3A_85 = tpu.memref_slice %arg12[%mul3A_80] : memref<512xi32, #tpu.memory_space<vmem>> -> memref<32xi32, #tpu.memory_space<vmem>>
      %dma_wait3A_86 = arith.constant 0 : i32
      %dma_wait3A_87 = arith.constant 0 : i32
      %dma_wait3A_88 = tpu.memref_slice %arg6[%dma_wait3A_86, %dma_wait3A_87] : memref<1000000x128xf32, #tpu.memory_space<hbm>> -> memref<1000000x128xf32, #tpu.memory_space<hbm>>
      tpu.wait_indirect_dma semaphore(%arg24 : memref<!tpu.dma_semaphore, #tpu.memory_space<semaphore_mem>>) src(%dma_wait3A_88 : memref<1000000x128xf32, #tpu.memory_space<hbm>>) dst(%arg20 : memref<32x128xf32, #tpu.memory_space<vmem>>)
      %dma_wait3A_89 = tpu.memref_slice %arg11[%mul3A_80] : memref<512xi32, #tpu.memory_space<vmem>> -> memref<32xi32, #tpu.memory_space<vmem>>
      %dma_wait3A_90 = arith.constant 0 : i32
      %dma_wait3A_91 = arith.constant 0 : i32
      %dma_wait3A_92 = tpu.memref_slice %arg7[%dma_wait3A_90, %dma_wait3A_91] : memref<500x128xf32, #tpu.memory_space<hbm>> -> memref<500x128xf32, #tpu.memory_space<hbm>>
      tpu.wait_indirect_dma semaphore(%arg24 : memref<!tpu.dma_semaphore, #tpu.memory_space<semaphore_mem>>) src(%dma_wait3A_92 : memref<500x128xf32, #tpu.memory_space<hbm>>) dst(%arg19 : memref<32x128xf32, #tpu.memory_space<vmem>>)
      %dma_wait3A_93 = tpu.memref_slice %arg13[%mul3A_80] : memref<512xi32, #tpu.memory_space<vmem>> -> memref<32xi32, #tpu.memory_space<vmem>>
      %dma_wait3A_94 = arith.constant 0 : i32
      %dma_wait3A_95 = arith.constant 0 : i32
      %dma_wait3A_96 = tpu.memref_slice %arg8[%dma_wait3A_94, %dma_wait3A_95] : memref<365x128xf32, #tpu.memory_space<hbm>> -> memref<365x128xf32, #tpu.memory_space<hbm>>
      tpu.wait_indirect_dma semaphore(%arg24 : memref<!tpu.dma_semaphore, #tpu.memory_space<semaphore_mem>>) src(%dma_wait3A_96 : memref<365x128xf32, #tpu.memory_space<hbm>>) dst(%arg21 : memref<32x128xf32, #tpu.memory_space<vmem>>)
      %add3A_97 = arith.constant 1 : i32
      %add3A_98 = arith.addi %mul3A_29, %add3A_97 : i32
      %scan3A_99 = arith.constant 0 : i32
      %scan3A_100 = arith.constant 0 : i32
      %scan3A_101 = arith.constant 2 : i32
      %scan3A_102 = arith.addi %scan3A_100, %scan3A_101 : i32
      %scan3A_103 = arith.constant 1 : i32
      scf.for %scan3A_105 = %scan3A_100 to %scan3A_102 step %scan3A_103  : i32 {
        %broadcast_in_dim3A = arith.constant 0.000000e+00 : f32
        %broadcast_in_dim3A_106 = vector.broadcast %broadcast_in_dim3A : f32 to vector<16xf32>
        %scan3A_107 = arith.constant 0 : i32
        %scan3A_108 = arith.constant 16 : i32
        %scan3A_109 = arith.addi %scan3A_107, %scan3A_108 : i32
        %scan3A_110 = arith.constant 1 : i32
        %scan3A_111 = scf.for %scan3A_121 = %scan3A_107 to %scan3A_109 step %scan3A_110 iter_args(%scan3A_122 = %broadcast_in_dim3A_106) -> (vector<16xf32>)  : i32 {
          %mul3A_123 = arith.constant 16 : i32
          %mul3A_124 = arith.muli %scan3A_105, %mul3A_123 : i32
          %add3A_125 = arith.addi %mul3A_124, %scan3A_121 : i32
          %get3A = arith.index_cast %add3A_125 : i32 to index
          %get3A_126 = arith.constant 0 : index
          %get3A_127 = tpu.vector_load %arg18[%get3A, %get3A_126] {strides = array<i32>} : memref<32x128xf32, #tpu.memory_space<vmem>>, vector<1x16xf32>,
          %get3A_128 = vector.shape_cast %get3A_127 : vector<1x16xf32> to vector<16xf32>
          %get3A_129 = arith.index_cast %add3A_125 : i32 to index
          %get3A_130 = arith.constant 0 : index
          %get3A_131 = tpu.vector_load %arg19[%get3A_129, %get3A_130] {strides = array<i32>} : memref<32x128xf32, #tpu.memory_space<vmem>>, vector<1x16xf32>,
          %get3A_132 = vector.shape_cast %get3A_131 : vector<1x16xf32> to vector<16xf32>
          %add3A_133 = arith.addf %get3A_128, %get3A_132 : vector<16xf32>
          %get3A_134 = arith.index_cast %add3A_125 : i32 to index
          %get3A_135 = arith.constant 0 : index
          %get3A_136 = tpu.vector_load %arg21[%get3A_134, %get3A_135] {strides = array<i32>} : memref<32x128xf32, #tpu.memory_space<vmem>>, vector<1x16xf32>,
          %get3A_137 = vector.shape_cast %get3A_136 : vector<1x16xf32> to vector<16xf32>
          %get3A_138 = arith.index_cast %add3A_125 : i32 to index
          %get3A_139 = arith.constant 0 : index
          %get3A_140 = tpu.vector_load %arg20[%get3A_138, %get3A_139] {strides = array<i32>} : memref<32x128xf32, #tpu.memory_space<vmem>>, vector<1x16xf32>,
          %get3A_141 = vector.shape_cast %get3A_140 : vector<1x16xf32> to vector<16xf32>
          %sub3A = arith.subf %get3A_137, %get3A_141 : vector<16xf32>
          %add3A_142 = arith.addf %add3A_133, %sub3A : vector<16xf32>
          %abs3A = math.absf %add3A_142 : vector<16xf32>
          %get3A_143 = arith.index_cast %add3A_125 : i32 to index
          %get3A_144 = arith.constant 16 : index
          %get3A_145 = tpu.vector_load %arg18[%get3A_143, %get3A_144] {strides = array<i32>} : memref<32x128xf32, #tpu.memory_space<vmem>>, vector<1x16xf32>,
          %get3A_146 = vector.shape_cast %get3A_145 : vector<1x16xf32> to vector<16xf32>
          %get3A_147 = arith.index_cast %add3A_125 : i32 to index
          %get3A_148 = arith.constant 16 : index
          %get3A_149 = tpu.vector_load %arg19[%get3A_147, %get3A_148] {strides = array<i32>} : memref<32x128xf32, #tpu.memory_space<vmem>>, vector<1x16xf32>,
          %get3A_150 = vector.shape_cast %get3A_149 : vector<1x16xf32> to vector<16xf32>
          %add3A_151 = arith.addf %get3A_146, %get3A_150 : vector<16xf32>
          %get3A_152 = arith.index_cast %add3A_125 : i32 to index
          %get3A_153 = arith.constant 16 : index
          %get3A_154 = tpu.vector_load %arg21[%get3A_152, %get3A_153] {strides = array<i32>} : memref<32x128xf32, #tpu.memory_space<vmem>>, vector<1x16xf32>,
          %get3A_155 = vector.shape_cast %get3A_154 : vector<1x16xf32> to vector<16xf32>
          %get3A_156 = arith.index_cast %add3A_125 : i32 to index
          %get3A_157 = arith.constant 16 : index
          %get3A_158 = tpu.vector_load %arg20[%get3A_156, %get3A_157] {strides = array<i32>} : memref<32x128xf32, #tpu.memory_space<vmem>>, vector<1x16xf32>,
          %get3A_159 = vector.shape_cast %get3A_158 : vector<1x16xf32> to vector<16xf32>
          %sub3A_160 = arith.subf %get3A_155, %get3A_159 : vector<16xf32>
          %add3A_161 = arith.addf %add3A_151, %sub3A_160 : vector<16xf32>
          %abs3A_162 = math.absf %add3A_161 : vector<16xf32>
          %get3A_163 = arith.index_cast %add3A_125 : i32 to index
          %get3A_164 = arith.constant 32 : index
          %get3A_165 = tpu.vector_load %arg18[%get3A_163, %get3A_164] {strides = array<i32>} : memref<32x128xf32, #tpu.memory_space<vmem>>, vector<1x16xf32>,
          %get3A_166 = vector.shape_cast %get3A_165 : vector<1x16xf32> to vector<16xf32>
          %get3A_167 = arith.index_cast %add3A_125 : i32 to index
          %get3A_168 = arith.constant 32 : index
          %get3A_169 = tpu.vector_load %arg19[%get3A_167, %get3A_168] {strides = array<i32>} : memref<32x128xf32, #tpu.memory_space<vmem>>, vector<1x16xf32>,
          %get3A_170 = vector.shape_cast %get3A_169 : vector<1x16xf32> to vector<16xf32>
          %add3A_171 = arith.addf %get3A_166, %get3A_170 : vector<16xf32>
          %get3A_172 = arith.index_cast %add3A_125 : i32 to index
          %get3A_173 = arith.constant 32 : index
          %get3A_174 = tpu.vector_load %arg21[%get3A_172, %get3A_173] {strides = array<i32>} : memref<32x128xf32, #tpu.memory_space<vmem>>, vector<1x16xf32>,
          %get3A_175 = vector.shape_cast %get3A_174 : vector<1x16xf32> to vector<16xf32>
          %get3A_176 = arith.index_cast %add3A_125 : i32 to index
          %get3A_177 = arith.constant 32 : index
          %get3A_178 = tpu.vector_load %arg20[%get3A_176, %get3A_177] {strides = array<i32>} : memref<32x128xf32, #tpu.memory_space<vmem>>, vector<1x16xf32>,
          %get3A_179 = vector.shape_cast %get3A_178 : vector<1x16xf32> to vector<16xf32>
          %sub3A_180 = arith.subf %get3A_175, %get3A_179 : vector<16xf32>
          %add3A_181 = arith.addf %add3A_171, %sub3A_180 : vector<16xf32>
          %abs3A_182 = math.absf %add3A_181 : vector<16xf32>
          %get3A_183 = arith.index_cast %add3A_125 : i32 to index
          %get3A_184 = arith.constant 48 : index
          %get3A_185 = tpu.vector_load %arg18[%get3A_183, %get3A_184] {strides = array<i32>} : memref<32x128xf32, #tpu.memory_space<vmem>>, vector<1x16xf32>,
          %get3A_186 = vector.shape_cast %get3A_185 : vector<1x16xf32> to vector<16xf32>
          %get3A_187 = arith.index_cast %add3A_125 : i32 to index
          %get3A_188 = arith.constant 48 : index
          %get3A_189 = tpu.vector_load %arg19[%get3A_187, %get3A_188] {strides = array<i32>} : memref<32x128xf32, #tpu.memory_space<vmem>>, vector<1x16xf32>,
          %get3A_190 = vector.shape_cast %get3A_189 : vector<1x16xf32> to vector<16xf32>
          %add3A_191 = arith.addf %get3A_186, %get3A_190 : vector<16xf32>
          %get3A_192 = arith.index_cast %add3A_125 : i32 to index
          %get3A_193 = arith.constant 48 : index
          %get3A_194 = tpu.vector_load %arg21[%get3A_192, %get3A_193] {strides = array<i32>} : memref<32x128xf32, #tpu.memory_space<vmem>>, vector<1x16xf32>,
          %get3A_195 = vector.shape_cast %get3A_194 : vector<1x16xf32> to vector<16xf32>
          %get3A_196 = arith.index_cast %add3A_125 : i32 to index
          %get3A_197 = arith.constant 48 : index
          %get3A_198 = tpu.vector_load %arg20[%get3A_196, %get3A_197] {strides = array<i32>} : memref<32x128xf32, #tpu.memory_space<vmem>>, vector<1x16xf32>,
          %get3A_199 = vector.shape_cast %get3A_198 : vector<1x16xf32> to vector<16xf32>
          %sub3A_200 = arith.subf %get3A_195, %get3A_199 : vector<16xf32>
          %add3A_201 = arith.addf %add3A_191, %sub3A_200 : vector<16xf32>
          %abs3A_202 = math.absf %add3A_201 : vector<16xf32>
          %get3A_203 = arith.index_cast %add3A_125 : i32 to index
          %get3A_204 = arith.constant 64 : index
          %get3A_205 = tpu.vector_load %arg18[%get3A_203, %get3A_204] {strides = array<i32>} : memref<32x128xf32, #tpu.memory_space<vmem>>, vector<1x16xf32>,
          %get3A_206 = vector.shape_cast %get3A_205 : vector<1x16xf32> to vector<16xf32>
          %get3A_207 = arith.index_cast %add3A_125 : i32 to index
          %get3A_208 = arith.constant 64 : index
          %get3A_209 = tpu.vector_load %arg19[%get3A_207, %get3A_208] {strides = array<i32>} : memref<32x128xf32, #tpu.memory_space<vmem>>, vector<1x16xf32>,
          %get3A_210 = vector.shape_cast %get3A_209 : vector<1x16xf32> to vector<16xf32>
          %add3A_211 = arith.addf %get3A_206, %get3A_210 : vector<16xf32>
          %get3A_212 = arith.index_cast %add3A_125 : i32 to index
          %get3A_213 = arith.constant 64 : index
          %get3A_214 = tpu.vector_load %arg21[%get3A_212, %get3A_213] {strides = array<i32>} : memref<32x128xf32, #tpu.memory_space<vmem>>, vector<1x16xf32>,
          %get3A_215 = vector.shape_cast %get3A_214 : vector<1x16xf32> to vector<16xf32>
          %get3A_216 = arith.index_cast %add3A_125 : i32 to index
          %get3A_217 = arith.constant 64 : index
          %get3A_218 = tpu.vector_load %arg20[%get3A_216, %get3A_217] {strides = array<i32>} : memref<32x128xf32, #tpu.memory_space<vmem>>, vector<1x16xf32>,
          %get3A_219 = vector.shape_cast %get3A_218 : vector<1x16xf32> to vector<16xf32>
          %sub3A_220 = arith.subf %get3A_215, %get3A_219 : vector<16xf32>
          %add3A_221 = arith.addf %add3A_211, %sub3A_220 : vector<16xf32>
          %abs3A_222 = math.absf %add3A_221 : vector<16xf32>
          %add3A_223 = arith.addf %abs3A, %abs3A_222 : vector<16xf32>
          %get3A_224 = arith.index_cast %add3A_125 : i32 to index
          %get3A_225 = arith.constant 80 : index
          %get3A_226 = tpu.vector_load %arg18[%get3A_224, %get3A_225] {strides = array<i32>} : memref<32x128xf32, #tpu.memory_space<vmem>>, vector<1x16xf32>,
          %get3A_227 = vector.shape_cast %get3A_226 : vector<1x16xf32> to vector<16xf32>
          %get3A_228 = arith.index_cast %add3A_125 : i32 to index
          %get3A_229 = arith.constant 80 : index
          %get3A_230 = tpu.vector_load %arg19[%get3A_228, %get3A_229] {strides = array<i32>} : memref<32x128xf32, #tpu.memory_space<vmem>>, vector<1x16xf32>,
          %get3A_231 = vector.shape_cast %get3A_230 : vector<1x16xf32> to vector<16xf32>
          %add3A_232 = arith.addf %get3A_227, %get3A_231 : vector<16xf32>
          %get3A_233 = arith.index_cast %add3A_125 : i32 to index
          %get3A_234 = arith.constant 80 : index
          %get3A_235 = tpu.vector_load %arg21[%get3A_233, %get3A_234] {strides = array<i32>} : memref<32x128xf32, #tpu.memory_space<vmem>>, vector<1x16xf32>,
          %get3A_236 = vector.shape_cast %get3A_235 : vector<1x16xf32> to vector<16xf32>
          %get3A_237 = arith.index_cast %add3A_125 : i32 to index
          %get3A_238 = arith.constant 80 : index
          %get3A_239 = tpu.vector_load %arg20[%get3A_237, %get3A_238] {strides = array<i32>} : memref<32x128xf32, #tpu.memory_space<vmem>>, vector<1x16xf32>,
          %get3A_240 = vector.shape_cast %get3A_239 : vector<1x16xf32> to vector<16xf32>
          %sub3A_241 = arith.subf %get3A_236, %get3A_240 : vector<16xf32>
          %add3A_242 = arith.addf %add3A_232, %sub3A_241 : vector<16xf32>
          %abs3A_243 = math.absf %add3A_242 : vector<16xf32>
          %add3A_244 = arith.addf %abs3A_162, %abs3A_243 : vector<16xf32>
          %get3A_245 = arith.index_cast %add3A_125 : i32 to index
          %get3A_246 = arith.constant 96 : index
          %get3A_247 = tpu.vector_load %arg18[%get3A_245, %get3A_246] {strides = array<i32>} : memref<32x128xf32, #tpu.memory_space<vmem>>, vector<1x16xf32>,
          %get3A_248 = vector.shape_cast %get3A_247 : vector<1x16xf32> to vector<16xf32>
          %get3A_249 = arith.index_cast %add3A_125 : i32 to index
          %get3A_250 = arith.constant 96 : index
          %get3A_251 = tpu.vector_load %arg19[%get3A_249, %get3A_250] {strides = array<i32>} : memref<32x128xf32, #tpu.memory_space<vmem>>, vector<1x16xf32>,
          %get3A_252 = vector.shape_cast %get3A_251 : vector<1x16xf32> to vector<16xf32>
          %add3A_253 = arith.addf %get3A_248, %get3A_252 : vector<16xf32>
          %get3A_254 = arith.index_cast %add3A_125 : i32 to index
          %get3A_255 = arith.constant 96 : index
          %get3A_256 = tpu.vector_load %arg21[%get3A_254, %get3A_255] {strides = array<i32>} : memref<32x128xf32, #tpu.memory_space<vmem>>, vector<1x16xf32>,
          %get3A_257 = vector.shape_cast %get3A_256 : vector<1x16xf32> to vector<16xf32>
          %get3A_258 = arith.index_cast %add3A_125 : i32 to index
          %get3A_259 = arith.constant 96 : index
          %get3A_260 = tpu.vector_load %arg20[%get3A_258, %get3A_259] {strides = array<i32>} : memref<32x128xf32, #tpu.memory_space<vmem>>, vector<1x16xf32>,
          %get3A_261 = vector.shape_cast %get3A_260 : vector<1x16xf32> to vector<16xf32>
          %sub3A_262 = arith.subf %get3A_257, %get3A_261 : vector<16xf32>
          %add3A_263 = arith.addf %add3A_253, %sub3A_262 : vector<16xf32>
          %abs3A_264 = math.absf %add3A_263 : vector<16xf32>
          %add3A_265 = arith.addf %abs3A_182, %abs3A_264 : vector<16xf32>
          %get3A_266 = arith.index_cast %add3A_125 : i32 to index
          %get3A_267 = arith.constant 112 : index
          %get3A_268 = tpu.vector_load %arg18[%get3A_266, %get3A_267] {strides = array<i32>} : memref<32x128xf32, #tpu.memory_space<vmem>>, vector<1x16xf32>,
          %get3A_269 = vector.shape_cast %get3A_268 : vector<1x16xf32> to vector<16xf32>
          %get3A_270 = arith.index_cast %add3A_125 : i32 to index
          %get3A_271 = arith.constant 112 : index
          %get3A_272 = tpu.vector_load %arg19[%get3A_270, %get3A_271] {strides = array<i32>} : memref<32x128xf32, #tpu.memory_space<vmem>>, vector<1x16xf32>,
          %get3A_273 = vector.shape_cast %get3A_272 : vector<1x16xf32> to vector<16xf32>
          %add3A_274 = arith.addf %get3A_269, %get3A_273 : vector<16xf32>
          %get3A_275 = arith.index_cast %add3A_125 : i32 to index
          %get3A_276 = arith.constant 112 : index
          %get3A_277 = tpu.vector_load %arg21[%get3A_275, %get3A_276] {strides = array<i32>} : memref<32x128xf32, #tpu.memory_space<vmem>>, vector<1x16xf32>,
          %get3A_278 = vector.shape_cast %get3A_277 : vector<1x16xf32> to vector<16xf32>
          %get3A_279 = arith.index_cast %add3A_125 : i32 to index
          %get3A_280 = arith.constant 112 : index
          %get3A_281 = tpu.vector_load %arg20[%get3A_279, %get3A_280] {strides = array<i32>} : memref<32x128xf32, #tpu.memory_space<vmem>>, vector<1x16xf32>,
          %get3A_282 = vector.shape_cast %get3A_281 : vector<1x16xf32> to vector<16xf32>
          %sub3A_283 = arith.subf %get3A_278, %get3A_282 : vector<16xf32>
          %add3A_284 = arith.addf %add3A_274, %sub3A_283 : vector<16xf32>
          %abs3A_285 = math.absf %add3A_284 : vector<16xf32>
          %add3A_286 = arith.addf %abs3A_202, %abs3A_285 : vector<16xf32>
          %add3A_287 = arith.addf %add3A_223, %add3A_244 : vector<16xf32>
          %add3A_288 = arith.addf %add3A_265, %add3A_286 : vector<16xf32>
          %add3A_289 = arith.addf %add3A_287, %add3A_288 : vector<16xf32>
          %add3A_290 = arith.constant 8 : i32
          %add3A_291 = vector.broadcast %add3A_290 : i32 to vector<16xi32>
          %add3A_292 = arith.addi %iota3A, %add3A_291 : vector<16xi32>
          %and3A = arith.constant 15 : i32
          %and3A_293 = vector.broadcast %and3A : i32 to vector<16xi32>
          %and3A_294 = arith.andi %add3A_292, %and3A_293 : vector<16xi32>
          %lt3A_295 = arith.constant 0 : i32
          %lt3A_296 = vector.broadcast %lt3A_295 : i32 to vector<16xi32>
          %lt3A_297 = arith.cmpi slt, %and3A_294, %lt3A_296 : vector<16xi32>
          %add3A_298 = arith.constant 16 : i32
          %add3A_299 = vector.broadcast %add3A_298 : i32 to vector<16xi32>
          %add3A_300 = arith.addi %and3A_294, %add3A_299 : vector<16xi32>
          %select_n3A = arith.select %lt3A_297, %add3A_300, %and3A_294 : vector<16xi1>, vector<16xi32>
          %broadcast_in_dim3A_301 = vector.shape_cast %select_n3A : vector<16xi32> to vector<16x1xi32>
          %gather3A = vector.shape_cast %broadcast_in_dim3A_301 : vector<16x1xi32> to vector<16xi32>
          %gather3A_302 = tpu.dynamic_gather %add3A_289[%gather3A] in [0] : vector<16xf32>, vector<16xi32> -> vector<16xf32>
          %add3A_303 = arith.addf %add3A_289, %gather3A_302 : vector<16xf32>
          %add3A_304 = arith.constant 4 : i32
          %add3A_305 = vector.broadcast %add3A_304 : i32 to vector<16xi32>
          %add3A_306 = arith.addi %iota3A, %add3A_305 : vector<16xi32>
          %and3A_307 = arith.constant 15 : i32
          %and3A_308 = vector.broadcast %and3A_307 : i32 to vector<16xi32>
          %and3A_309 = arith.andi %add3A_306, %and3A_308 : vector<16xi32>
          %lt3A_310 = arith.constant 0 : i32
          %lt3A_311 = vector.broadcast %lt3A_310 : i32 to vector<16xi32>
          %lt3A_312 = arith.cmpi slt, %and3A_309, %lt3A_311 : vector<16xi32>
          %add3A_313 = arith.constant 16 : i32
          %add3A_314 = vector.broadcast %add3A_313 : i32 to vector<16xi32>
          %add3A_315 = arith.addi %and3A_309, %add3A_314 : vector<16xi32>
          %select_n3A_316 = arith.select %lt3A_312, %add3A_315, %and3A_309 : vector<16xi1>, vector<16xi32>
          %broadcast_in_dim3A_317 = vector.shape_cast %select_n3A_316 : vector<16xi32> to vector<16x1xi32>
          %gather3A_318 = vector.shape_cast %broadcast_in_dim3A_317 : vector<16x1xi32> to vector<16xi32>
          %gather3A_319 = tpu.dynamic_gather %add3A_303[%gather3A_318] in [0] : vector<16xf32>, vector<16xi32> -> vector<16xf32>
          %add3A_320 = arith.addf %add3A_303, %gather3A_319 : vector<16xf32>
          %add3A_321 = arith.constant 2 : i32
          %add3A_322 = vector.broadcast %add3A_321 : i32 to vector<16xi32>
          %add3A_323 = arith.addi %iota3A, %add3A_322 : vector<16xi32>
          %and3A_324 = arith.constant 15 : i32
          %and3A_325 = vector.broadcast %and3A_324 : i32 to vector<16xi32>
          %and3A_326 = arith.andi %add3A_323, %and3A_325 : vector<16xi32>
          %lt3A_327 = arith.constant 0 : i32
          %lt3A_328 = vector.broadcast %lt3A_327 : i32 to vector<16xi32>
          %lt3A_329 = arith.cmpi slt, %and3A_326, %lt3A_328 : vector<16xi32>
          %add3A_330 = arith.constant 16 : i32
          %add3A_331 = vector.broadcast %add3A_330 : i32 to vector<16xi32>
          %add3A_332 = arith.addi %and3A_326, %add3A_331 : vector<16xi32>
          %select_n3A_333 = arith.select %lt3A_329, %add3A_332, %and3A_326 : vector<16xi1>, vector<16xi32>
          %broadcast_in_dim3A_334 = vector.shape_cast %select_n3A_333 : vector<16xi32> to vector<16x1xi32>
          %gather3A_335 = vector.shape_cast %broadcast_in_dim3A_334 : vector<16x1xi32> to vector<16xi32>
          %gather3A_336 = tpu.dynamic_gather %add3A_320[%gather3A_335] in [0] : vector<16xf32>, vector<16xi32> -> vector<16xf32>
          %add3A_337 = arith.addf %add3A_320, %gather3A_336 : vector<16xf32>
          %add3A_338 = arith.constant 1 : i32
          %add3A_339 = vector.broadcast %add3A_338 : i32 to vector<16xi32>
          %add3A_340 = arith.addi %iota3A, %add3A_339 : vector<16xi32>
          %and3A_341 = arith.constant 15 : i32
          %and3A_342 = vector.broadcast %and3A_341 : i32 to vector<16xi32>
          %and3A_343 = arith.andi %add3A_340, %and3A_342 : vector<16xi32>
          %lt3A_344 = arith.constant 0 : i32
          %lt3A_345 = vector.broadcast %lt3A_344 : i32 to vector<16xi32>
          %lt3A_346 = arith.cmpi slt, %and3A_343, %lt3A_345 : vector<16xi32>
          %add3A_347 = arith.constant 16 : i32
          %add3A_348 = vector.broadcast %add3A_347 : i32 to vector<16xi32>
          %add3A_349 = arith.addi %and3A_343, %add3A_348 : vector<16xi32>
          %select_n3A_350 = arith.select %lt3A_346, %add3A_349, %and3A_343 : vector<16xi1>, vector<16xi32>
          %broadcast_in_dim3A_351 = vector.shape_cast %select_n3A_350 : vector<16xi32> to vector<16x1xi32>
          %gather3A_352 = vector.shape_cast %broadcast_in_dim3A_351 : vector<16x1xi32> to vector<16xi32>
          %gather3A_353 = tpu.dynamic_gather %add3A_337[%gather3A_352] in [0] : vector<16xf32>, vector<16xi32> -> vector<16xf32>
          %add3A_354 = arith.addf %add3A_337, %gather3A_353 : vector<16xf32>
          %eq3A = vector.broadcast %scan3A_121 : i32 to vector<16xi32>
          %eq3A_355 = arith.cmpi eq, %iota3A, %eq3A : vector<16xi32>
          %sub3A_356 = arith.constant 2.400000e+01 : f32
          %sub3A_357 = vector.broadcast %sub3A_356 : f32 to vector<16xf32>
          %sub3A_358 = arith.subf %sub3A_357, %add3A_354 : vector<16xf32>
          %select_n3A_359 = arith.select %eq3A_355, %sub3A_358, %scan3A_122 : vector<16xi1>, vector<16xf32>
          scf.yield %select_n3A_359 : vector<16xf32>
        }
        %scan3A_112 = arith.constant 16 : i32
        %mul3A_113 = arith.constant 32 : i32
        %mul3A_114 = arith.muli %add3A_98, %mul3A_113 : i32
        %mul3A_115 = arith.constant 16 : i32
        %mul3A_116 = arith.muli %scan3A_105, %mul3A_115 : i32
        %add3A_117 = arith.addi %mul3A_114, %mul3A_116 : i32
        %swap3A = arith.index_cast %add3A_117 : i32 to index
        %swap3A_118 = tpu.vector_load %arg22[%swap3A] {strides = array<i32>} : memref<512xf32, #tpu.memory_space<vmem>>, vector<16xf32>,
        %swap3A_119 = vector.shape_cast %swap3A_118 : vector<16xf32> to vector<16xf32>
        %swap3A_120 = vector.shape_cast %scan3A_111 : vector<16xf32> to vector<16xf32>
        tpu.vector_store %arg22[%swap3A], %swap3A_120 {strides = array<i32>} : memref<512xf32, #tpu.memory_space<vmem>>, vector<16xf32>,
      }
      %scan3A_104 = arith.constant 2 : i32
    }
    %scan3A_26 = arith.constant 8 : i32
    "tpu.region"() ({
      %run_scoped3A = tpu.sem_alloc : memref<!tpu.dma_semaphore, #tpu.memory_space<semaphore_mem>>
      %dma_start3A_27 = tpu.memref_slice %arg9[%mul3A_2] : memref<16384xf32, #tpu.memory_space<hbm>> -> memref<512xf32, #tpu.memory_space<hbm>>
      %dma_start3A_28 = tpu.memref_slice %arg9[%mul3A_2] : memref<16384xf32, #tpu.memory_space<hbm>> -> memref<512xf32, #tpu.memory_space<hbm>>
      tpu.enqueue_dma source(%arg22 : memref<512xf32, #tpu.memory_space<vmem>>) target(%dma_start3A_28 : memref<512xf32, #tpu.memory_space<hbm>>) target_semaphore(%run_scoped3A : memref<!tpu.dma_semaphore, #tpu.memory_space<semaphore_mem>>)
      %dma_wait3A = tpu.memref_slice %arg9[%mul3A_2] : memref<16384xf32, #tpu.memory_space<hbm>> -> memref<512xf32, #tpu.memory_space<hbm>>
      %dma_wait3A_29 = tpu.memref_slice %arg9[%mul3A_2] : memref<16384xf32, #tpu.memory_space<hbm>> -> memref<512xf32, #tpu.memory_space<hbm>>
      tpu.wait_dma2 semaphore(%run_scoped3A : memref<!tpu.dma_semaphore, #tpu.memory_space<semaphore_mem>>) src(%arg22 : memref<512xf32, #tpu.memory_space<vmem>>) dst(%dma_wait3A_29 : memref<512xf32, #tpu.memory_space<hbm>>)
      tpu.yield
    }) : () -> ()
    return
  }
}

</mosaic_0001>

<sc_bundles>
// kernel: kernel.3.cloned.1.call-start
scs
__scs_entry_jumppad:
0x0: {  	(pc) =	sbr.rel $0x88, $3  }
0x1: {  	(tag) =	ssettag $0x0;
	lr =	simm.s32 $0x1  }
0x2: {  	[smem:$0x3F9A] =	sst lr;
	_ =	strace $0xD0000000  }
0x3: {  	_ = 	snop  }
0x4: {  	_ = 	snop  }
0x5: {  	_ = 	snop  }
0x6: {  	_ = 	snop  }
0x7: {  	_ = 	snop  }
__scs_overlays_trampoline_lowered:
0x8: {  	[smem:$0x3FA9] =	sst s0  }
0x9: {  	[smem:$0x3FAA] =	sst s1  }
0xa: {  	[smem:$0x3FAB] =	sst s2  }
0xb: {  	[smem:$0x3FAC] =	sst s3  }
0xc: {  	[smem:$0x3FAD] =	sst s4  }
0xd: {  	[smem:$0x3FAE] =	sst s5  }
0xe: {  	[smem:$0x3FAF] =	sst s6  }
0xf: {  	[smem:$0x3FB0] =	sst s7  }
0x10: {  	[smem:$0x3FB1] =	sst s8  }
0x11: {  	[smem:$0x3FB2] =	sst s9;
	s0 =	simm.s32 @!p0 $0x0  }
0x12: {  	s1 =	sld [smem:$0x3F98];
	s0 =	simm.s32 @p0 $0x1  }
0x13: {  	[smem:$0x3FB3] =	sst s0;
	s0 =	simm.s32 @!p1 $0x0  }
0x14: {  	s2 =	sld [smem:$0x3F97];
	s0 =	simm.s32 @p1 $0x1  }
0x15: {  	[smem:$0x3FB4] =	sst s0;
	s0 =	simm.s32 @!p2 $0x0  }
0x16: {  	s3 =	sld [smem:$0x3FDB];
	s0 =	simm.s32 @p2 $0x1  }
0x17: {  	s4 =	simm.s32 $0x1BF5;
	[smem:$0x3FB6] =	sst s0  }
0x18: {  	s0 =	sld [smem:$0x3F99];
	_ =	swait.ge [sflag:s4], $0x0  }
0x19: {  	s7 =	sld [smem:$0x3F9A]  }
0x1a: {  	s8 =	sadd.s32 $0xFFFFE003, lr  }
0x1b: {  	s9 =	sadd.s32 $0xFFFFFEF7, lr;
	s5 =	simm.s32 $0xFFFFFFFF;
	p2 =	slt.u32 s8, $0xFFFFF086  }
0x1c: {  	p1 =	slt.u32 s9, $0xF7A;
	s5 =	simm.s32 @!p2 $0x0  }
0x1d: {  	s5 =	simm.s32 @p1 $0x1;
	p0 =	seq.s32 s7, s2  }
0x1e: {  	s7 =	smul.u32 @!p0 $0xF7A, s2;
	p2 =	seq.s32 @!p0 s5, $0x0  }
0x1f: {  	s9 =	smul.u32 $0xF7A, s1;
	s8 =	simm.s32 @!p0 $0x1BF5;
	p2 =	por !p2, p0  }
0x20: {  	[sflag:s8] =	ssyncset.s32 @!p0 $0xFFFFF086;
	s6 =	sadd.s32 @!p0 s3, s7;
	s7 =	simm.s32 @!p0 $0x108  }
0x21: {  	s3 =	sadd.s32 s3, s9;
	s6 =	sadd.s32 @!p0 $0x88, s6;
	s7 =	simm.s32 @p2 $0x1082  }
0x22: {  	[simem:s7], [sflag:s8] =	dma.local @!p0 [hbm:s6], $0xF7A  }
0x23: {  	s9 =	sor.u32 $0xD0000000, s2;
	s6 =	simm.s32 $0x108;
	_ =	swait.ge @!p0 [sflag:s8], $0x0  }
0x24: {  	s3 =	sadd.s32 $0x88, s3;
	s6 =	simm.s32 @!p1 $0x1082;
	[sflag:s4] =	ssyncset.s32 $0xFFFFF086  }
0x25: {  	[simem:s6], [sflag:s4] =	dma.local [hbm:s3], $0xF7A  }
0x26: {  	[smem:$0x3F9A] =	sst s1;
	(tag) =	ssettag s2;
	_ =	strace s9  }
0x27: {  	s1 =	sld [smem:$0x3FAA]  }
0x28: {  	s2 =	sld [smem:$0x3FAB]  }
0x29: {  	s4 =	sld [smem:$0x3FAD]  }
0x2a: {  	p0 =	seq.s32 s5, $0x0;
	s5 =	sld [smem:$0x3FAE]  }
0x2b: {  	s6 =	sld [smem:$0x3FAF]  }
0x2c: {  	s7 =	sld [smem:$0x3FB0]  }
0x2d: {  	s3 =	simm.s32 $0x108;
	s8 =	sld [smem:$0x3FB1]  }
0x2e: {  	s3 =	simm.s32 @!p0 $0x1082;
	s9 =	sld [smem:$0x3FB2]  }
0x2f: {  	lr =	sadd.s32 s0, s3;
	s0 =	sld [smem:$0x3FA9]  }
0x30: {  	s3 =	sld [smem:$0x3FAC]  }
0x31: {  	[smem:$0x3FB5] =	sst s10  }
0x32: {  	s10 =	sld [smem:$0x3FB3];
	_ =	sdelay $0x3  }
0x33: {  	p0 =	seq.s32 s10, $0x1;
	s10 =	sld [smem:$0x3FB5];
	_ =	sdelay $0x3  }
0x34: {  	[smem:$0x3FB5] =	sst s10  }
0x35: {  	s10 =	sld [smem:$0x3FB4];
	_ =	sdelay $0x3  }
0x36: {  	p1 =	seq.s32 s10, $0x1;
	s10 =	sld [smem:$0x3FB5];
	_ =	sdelay $0x3  }
0x37: {  	[smem:$0x3FB5] =	sst s10  }
0x38: {  	s10 =	sld [smem:$0x3FB6]  }
0x39: {  	_ = 	snop;
	(pc) =	sbr.ind lr, $3  }
0x3a: {  	_ = 	snop  }
0x3b: {  	_ = 	snop  }
0x3c: {  	p2 =	seq.s32 s10, $0x1;
	s10 =	sld [smem:$0x3FB5]  }
0x3d: {  	_ =	shalt  }
0x3e: {  	_ =	shalt  }
0x3f: {  	_ =	shalt  }
0x40: {  	_ =	shalt  }
0x41: {  	_ =	shalt  }
0x42: {  	_ =	shalt  }
0x43: {  	_ =	shalt  }
0x44: {  	_ =	shalt  }
0x45: {  	_ =	shalt  }
0x46: {  	_ =	shalt  }
0x47: {  	_ =	shalt  }
0x48: {  	_ =	shalt  }
0x49: {  	_ =	shalt  }
0x4a: {  	_ =	shalt  }
0x4b: {  	_ =	shalt  }
0x4c: {  	_ =	shalt  }
0x4d: {  	_ =	shalt  }
0x4e: {  	_ =	shalt  }
0x4f: {  	_ =	shalt  }
0x50: {  	_ =	shalt  }
0x51: {  	_ =	shalt  }
0x52: {  	_ =	shalt  }
0x53: {  	_ =	shalt  }
0x54: {  	_ =	shalt  }
0x55: {  	_ =	shalt  }
0x56: {  	_ =	shalt  }
0x57: {  	_ =	shalt  }
0x58: {  	_ =	shalt  }
0x59: {  	_ =	shalt  }
0x5a: {  	_ =	shalt  }
0x5b: {  	_ =	shalt  }
0x5c: {  	_ =	shalt  }
0x5d: {  	_ =	shalt  }
0x5e: {  	_ =	shalt  }
0x5f: {  	_ =	shalt  }
0x60: {  	_ =	shalt  }
0x61: {  	_ =	shalt  }
0x62: {  	_ =	shalt  }
0x63: {  	_ =	shalt  }
0x64: {  	_ =	shalt  }
0x65: {  	_ =	shalt  }
0x66: {  	_ =	shalt  }
0x67: {  	_ =	shalt  }
0x68: {  	_ =	shalt  }
0x69: {  	_ =	shalt  }
0x6a: {  	_ =	shalt  }
0x6b: {  	_ =	shalt  }
0x6c: {  	_ =	shalt  }
0x6d: {  	_ =	shalt  }
0x6e: {  	_ =	shalt  }
0x6f: {  	_ =	shalt  }
0x70: {  	_ =	shalt  }
0x71: {  	_ =	shalt  }
0x72: {  	_ =	shalt  }
0x73: {  	_ =	shalt  }
0x74: {  	_ =	shalt  }
0x75: {  	_ =	shalt  }
0x76: {  	_ =	shalt  }
0x77: {  	_ =	shalt  }
0x78: {  	_ =	shalt  }
0x79: {  	_ =	shalt  }
0x7a: {  	_ =	shalt  }
0x7b: {  	_ =	shalt  }
0x7c: {  	_ =	shalt  }
0x7d: {  	_ =	shalt  }
0x7e: {  	_ =	shalt  }
0x7f: {  	_ =	shalt  }
0x80: {  	_ =	shalt  }
0x81: {  	_ =	shalt  }
0x82: {  	_ =	shalt  }
0x83: {  	_ =	shalt  }
0x84: {  	_ =	shalt  }
0x85: {  	_ =	shalt  }
0x86: {  	_ =	shalt  }
0x87: {  	_ =	shalt  }
.Lfunc_end0:
.L_simem_size_0:
called_computation_lowered:
.L_overlay_start_0:
0x88: {  	s2 =	sld [smem:$0x3FD9]  }
0x89: {  	s3 =	sld [smem:$0x3FFE];
	_ =	sdelay $0x1  }
0x8a: {  	s1 =	srdreg.scid  }
0x8b: {  	s0 =	sand.u32 $0x1, s1  }
0x8c: {  	s18 =	sshll.u32 s0, $0xA;
	s2 =	sadd.s32 s3, s2  }
0x8d: {  	s2 =	sadd.s32 s2, s18  }
0x8e: {  	[smem:$0x3FC1] =	sst s2  }
0x8f: {  	_ = 	snop  }
0x90: {  	s2 =	sld [smem:$0x3FC9]  }
0x91: {  	s19 =	sld [smem:$0x3FC8]  }
0x92: {  	s4 =	sld [smem:$0x3FC7]  }
0x93: {  	s5 =	sld [smem:$0x3FC6]  }
0x94: {  	s6 =	sld [smem:$0x3FC5]  }
0x95: {  	s7 =	sld [smem:$0x3FC4]  }
0x96: {  	s8 =	sld [smem:$0x3FC3]  }
0x97: {  	s9 =	sld [smem:$0x3FD0];
	(tm) =	ssettm $0x1  }
0x98: {  	s10 =	sld [smem:$0x3FFB];
	_ =	sdelay $0x3  }
0x99: {  	_ =	strace s10  }
0x9a: {  	s10 =	sld [smem:$0x3FFC];
	_ =	sdelay $0x3  }
0x9b: {  	_ =	strace s10  }
0x9c: {  	s10 =	sld [smem:$0x3FFD];
	_ =	sdelay $0x3  }
0x9d: {  	_ =	strace s10  }
0x9e: {  	_ =	strace $0x8FFFFFFF  }
0x9f: {  	s20 =	sld [smem:$0x3FDB];
	_ =	sdelay $0x1  }
0xa0: {  	s11 =	simm.s32 $_scs_section_size  }
0xa1: {  	s12 =	simm.s32 $_size__tile_overlayer_lowered;
	s13 =	simm.s32 $_tile_overlayer_lowered  }
0xa2: {  	s23 =	simm.s32 $0x1BFF;
	s22 =	sshll.u32 s13, $0x1;
	s10 =	sadd.s32 s11, s20  }
0xa3: {  	s14 =	simm.s32 $0x0;
	s21 =	sshll.u32 s12, $0x1;
	s12 =	sadd.s32 s22, s10  }
0xa4: {  	[timem:s14], [sflag:s23] =	dma.local [hbm:s12], s21  }
0xa5: {  	_ =	swait.ge [sflag:s23], s21  }
0xa6: {  	s11 =	ssub.s32 $0x0, s21;
	[sflag:s23] =	ssyncset.done $0x0  }
0xa7: {  	[sflag:s23] =	ssyncadd.s32 s11;
	_ =	sdelay $0x1  }
0xa8: {  	s24 =	simm.s32 $0x1B8B  }
0xa9: {  	_ =	swait.ge [sflag:s24], $0x1  }
0xaa: {  	[sflag:s24] =	ssyncset.done $0x0  }
0xab: {  	s25 =	simm.s32 $0x1B8E;
	[sflag:s24] =	ssyncadd.s32 $0xFFFFFFFF  }
0xac: {  	s26 =	simm.s32 $execute0_lowered;
	[smem:$0x3FD2] =	sst s25  }
0xad: {  	s11 =	sshll.u32 s26, $0x1;
	_ =	strace $0x80000046;
	[dreg:$0x1] =	wrdreg $0xFFFFFFFF  }
0xae: {  	s28 =	simm.s32 $_size_execute0_lowered;
	s10 =	sadd.s32 s10, s11;
	[dreg:$0x0] =	wrdreg $0x0  }
0xaf: {  	s11 =	sshll.u32 s28, $0x1;
	[dreg:$0x2] =	wrdreg s10  }
0xb0: {  	[dreg:$0x3] =	wrdreg s11  }
0xb1: {  	[dreg:$0x4] =	wrdreg $0xC0  }
0xb2: {  	_ =	task [dreg:s14], $0x5FFFF  }
0xb3: {  	[dreg:$0x1] =	wrdreg $0xFFFFFFFF  }
0xb4: {  	[dreg:$0x0] =	wrdreg $0x60  }
0xb5: {  	[dreg:$0x2] =	wrdreg s2  }
0xb6: {  	[dreg:$0x3] =	wrdreg s19  }
0xb7: {  	[dreg:$0x4] =	wrdreg s4  }
0xb8: {  	[dreg:$0x5] =	wrdreg s5  }
0xb9: {  	[dreg:$0x6] =	wrdreg s6  }
0xba: {  	[dreg:$0x7] =	wrdreg s7  }
0xbb: {  	[dreg:$0x8] =	wrdreg s8  }
0xbc: {  	[dreg:$0x9] =	wrdreg s9  }
0xbd: {  	[dreg:$0xa] =	wrdreg $0x9  }
0xbe: {  	_ =	task.clear_ibuf [dreg:s14], $0xBFFFF;
	_ =	strace $0x90000046  }
0xbf: {  	s29 =	simm.s32 $0x9;
	_ =	strace $0x80000048  }
0xc0: {  	_ =	swait.ge [sflag:s29], $0x1  }
0xc1: {  	[sflag:s29] =	ssyncadd.s32 $0xFFFFFFFF  }
0xc2: {  	_ =	strace $0x90000048  }
0xc3: {  	_ =	sfence  }
0xc4: {  	s30 =	sld [smem:$0x0];
	_ =	sdelay $0x2  }
0xc5: {  	s31 =	sshll.u32 s1, $0xD;
	s1 =	sshrl.u32 s1, $0x2  }
0xc6: {  	s3 =	sand.u32 $0x4000, s31;
	s1 =	sadd.s32 s1, s30  }
0xc7: {  	s0 =	sor.u32 s3, s0;
	s1 =	sshll.u32 s1, $0x11  }
0xc8: {  	s0 =	sor.u32 s1, s0  }
0xc9: {  	s0 =	sadd.s32 $0x8F2B, s0  }
0xca: {  	[sflag:s0] =	ssyncadd.remote.s32 $0x1  }
0xcb: {  	_ =	sfence.sel $0xFFFF  }
0xcc: {  	[dreg:$0x0] =	wrdreg $0xFFFFFFFF;
	(pc) =	sbr.abs _section_cstart, $3  }
0xcd: {  	[dreg:$0x1] =	wrdreg $0xFFFFFFFF  }
0xce: {  	_ =	task.clear_ibuf [dreg:s14], $0x2FFFF;
	_ =	strace $0x9FFFFFFF  }
0xcf: {  	(tm) =	ssettm $0x7FFFFFFF  }
tec
execute0_lowered:
.L_overlay_start_1:
0x0: {  	(tag) =	ssettag $0x1  }
0x1: {  	s0 =	rddreg [dreg:$0x0]  }
0x2: {  	s4 =	rddreg [dreg:$0x1]  }
0x3: {  	s6 =	rddreg [dreg:$0x2]  }
0x4: {  	s9 =	rddreg [dreg:$0x3]  }
0x5: {  	s1 =	rddreg [dreg:$0x4]  }
0x6: {  	s2 =	rddreg [dreg:$0x5]  }
0x7: {  	s3 =	rddreg [dreg:$0x6]  }
0x8: {  	v0 =	vimm.s32 $0xFEDCBA98;
	s10 =	rddreg [dreg:$0x7];
	s5 =	simm.s32 $0x0;
	v1 =	vimm.s32 $0x76543210  }
0x9: {  	s7 =	srdreg.scid;
	s11 =	stileid.u32;
	v2 =	vimm.s32 $0x3210FEDC;
	v3 =	vimm.s32 $0xBA987654;
	v4 =	vimm.s32 $0x10FEDCBA;
	s13 =	simm.s32 $0x3  }
0xa: {  	v5 =	vimm.s32 $0x98765432;
	v6 =	vimm.s32 $0xFEDCBA9;
	s14 =	simm.s32 $0x400;
	s15 =	simm.s32 $0x600;
	s16 =	simm.s32 $0x20  }
0xb: {  	v7 =	vimm.s32 $0x87654321;
	s21 =	simm.s32 $0x4800;
	s22 =	simm.s32 $0x6800;
	s23 =	simm.s32 $0x5800;
	v0 =	vunpack.c.l.s4.s8 v0;
	v1 =	vunpack.c.l.s4.s8 v1  }
0xc: {  	s24 =	simm.s32 $0x7800;
	s25 =	simm.s32 $0x1;
	s26 =	simm.s32 $0x2;
	v2 =	vunpack.c.l.s4.s8 v2;
	v3 =	vunpack.c.l.s4.s8 v3;
	v4 =	vunpack.c.l.s4.s8 v4  }
0xd: {  	s29 =	simm.s32 $0x0;
	[smem:$0x7FF] =	sst s5;
	s7 =	sand.u32 $0x1, s7;
	v5 =	vunpack.c.l.s4.s8 v5;
	v6 =	vunpack.c.l.s4.s8 v6;
	v7 =	vunpack.c.l.s4.s8 v7  }
0xe: {  	s11 =	sshll.u32 s11, $0x7;
	s8 =	ssub.s32 $0x2, s7;
	s7 =	sshll.u32 s7, $0x6;
	v0 =	vunpack.c.0.s8.s32 v0;
	v1 =	vunpack.c.0.s8.s32 v1;
	v2 =	vunpack.c.0.s8.s32 v2  }
0xf: {  	_ =	strace $0x80000047;
	s12 =	sshrl.u32 s8, $0x1;
	s11 =	sor.u32 s7, s11;
	v3 =	vunpack.c.0.s8.s32 v3;
	v4 =	vunpack.c.0.s8.s32 v4;
	v5 =	vunpack.c.0.s8.s32 v5  }
0x10: {  	v6 =	vunpack.c.0.s8.s32 v6;
	v7 =	vunpack.c.0.s8.s32 v7;
	s12 =	ssub.s32 s8, s12;
	s0 =	sadd.s32 s0, s11;
	s31 =	sadd.s32 s4, s11;
	v0 =	vand.u32 $0xF, v0  }
0x11: {  	s8 =	sadd.s32 s6, s11;
	s9 =	sadd.s32 s9, s11;
	[dreg:$0x9] =	wrdreg s0;
	v0 =	vcombine.low v0, v1;
	v1 =	vcombine.low v3, v2  }
0x12: {  	s11 =	sadd.s32 s10, s11;
	[dreg:$0xa] =	wrdreg s31;
	s12 =	smax.u32 s12, $0x1;
	v2 =	vcombine.low v5, v4;
	v3 =	vcombine.low v7, v6;
	v4 =	vlaneseq.u32  }
.LBB2_1:
0x13: {  	s0 =	rddreg [dreg:$0x9]  }
0x14: {  	[tilespmem:s5], [sflag:$0x3] =	stream.linear.gather [hbm4b:s0+s5], $0x200, $0x38;
	[tilespmem:$0x8A00] =	vst v63  }
0x15: {  	_ =	swait.ge [sflag:s13], $0x200  }
0x16: {  	[sflag:s13] =	ssyncset.done $0x0  }
0x17: {  	s4 =	simm.s32 $0x200;
	s18 =	rddreg [dreg:$0xa];
	[sflag:s13] =	ssyncadd.s32 $0xFFFFFE00  }
0x18: {  	[tilespmem:s4], [sflag:$0x3] =	stream.linear.gather [hbm4b:s18+s5], $0x200, $0x38;
	[tilespmem:$0x8A00] =	vst v63  }
0x19: {  	_ =	swait.ge [sflag:s13], $0x200  }
0x1a: {  	[sflag:s13] =	ssyncset.done $0x0  }
0x1b: {  	[sflag:s13] =	ssyncadd.s32 $0xFFFFFE00  }
0x1c: {  	[tilespmem:s14], [sflag:$0x3] =	stream.linear.gather [hbm4b:s8+s5], $0x200, $0x38;
	[tilespmem:$0x8A00] =	vst v63  }
0x1d: {  	_ =	swait.ge [sflag:s13], $0x200  }
0x1e: {  	[sflag:s13] =	ssyncset.done $0x0  }
0x1f: {  	[sflag:s13] =	ssyncadd.s32 $0xFFFFFE00  }
0x20: {  	[tilespmem:s15], [sflag:$0x3] =	stream.linear.gather [hbm4b:s9+s5], $0x200, $0x38;
	[tilespmem:$0x8A00] =	vst v63  }
0x21: {  	_ =	swait.ge [sflag:s13], $0x200  }
0x22: {  	[sflag:s13] =	ssyncset.done $0x0  }
0x23: {  	s19 =	simm.s32 $0x800;
	[sflag:s13] =	ssyncadd.s32 $0xFFFFFE00  }
0x24: {  	[tilespmem:s19], [sflag:$0x1] =	stream.indirect.gather [hbm4b:s1+s16], $0x80, s5, s16, $0xb8;
	[tilespmem:$0x8A00] =	vst v63  }
0x25: {  	s20 =	simm.s32 $0x2800  }
0x26: {  	[tilespmem:s20], [sflag:$0x1] =	stream.indirect.gather [hbm4b:s1+s16], $0x80, s14, s16, $0xb8;
	[tilespmem:$0x8A00] =	vst v63  }
0x27: {  	s28 =	simm.s32 $0x1800  }
0x28: {  	[tilespmem:s28], [sflag:$0x1] =	stream.indirect.gather [hbm4b:s2+s16], $0x80, s4, s16, $0xb8;
	[tilespmem:$0x8A00] =	vst v63  }
0x29: {  	s31 =	simm.s32 $0x3800;
	s30 =	simm.s32 $0x0  }
0x2a: {  	[tilespmem:s31], [sflag:$0x1] =	stream.indirect.gather [hbm4b:s3+s16], $0x80, s15, s16, $0xb8;
	[tilespmem:$0x8A00] =	vst v63  }
.LBB2_2:
0x2b: {  	s0 =	sshll.u32 s30, $0x6  }
0x2c: {  	s31 =	sor.u32 $0x20, s0  }
0x2d: {  	[tilespmem:s21], [sflag:$0x2] =	stream.indirect.gather [hbm4b:s1+s16], $0x80, s31, s16, $0xb8;
	[tilespmem:$0x8A00] =	vst v63  }
0x2e: {  	s4 =	sadd.s32 $0x420, s0  }
0x2f: {  	[tilespmem:s22], [sflag:$0x2] =	stream.indirect.gather [hbm4b:s1+s16], $0x80, s4, s16, $0xb8;
	[tilespmem:$0x8A00] =	vst v63  }
0x30: {  	s19 =	sadd.s32 $0x220, s0  }
0x31: {  	[tilespmem:s23], [sflag:$0x2] =	stream.indirect.gather [hbm4b:s2+s16], $0x80, s19, s16, $0xb8;
	[tilespmem:$0x8A00] =	vst v63  }
0x32: {  	s20 =	sadd.s32 $0x620, s0  }
0x33: {  	[tilespmem:s24], [sflag:$0x2] =	stream.indirect.gather [hbm4b:s3+s16], $0x80, s20, s16, $0xb8;
	[tilespmem:$0x8A00] =	vst v63  }
0x34: {  	_ =	swait.ge [sflag:s25], $0x1000  }
0x35: {  	[sflag:s25] =	ssyncset.done $0x0  }
0x36: {  	[sflag:s25] =	ssyncadd.s32 $0xFFFFF000  }
0x37: {  	_ =	swait.ge [sflag:s25], $0x1000  }
0x38: {  	[sflag:s25] =	ssyncset.done $0x0  }
0x39: {  	[sflag:s25] =	ssyncadd.s32 $0xFFFFF000  }
0x3a: {  	_ =	swait.ge [sflag:s25], $0x1000  }
0x3b: {  	[sflag:s25] =	ssyncset.done $0x0  }
0x3c: {  	[sflag:s25] =	ssyncadd.s32 $0xFFFFF000  }
0x3d: {  	s28 =	sand.u32 $0x3FFFFFC0, s0;
	_ =	swait.ge [sflag:s25], $0x1000  }
0x3e: {  	s6 =	sadd.s32 $0x8800, s28;
	[sflag:s25] =	ssyncset.done $0x0  }
0x3f: {  	p1 =	por $0x1, $0x1;
	v5 =	vmov s6;
	s4 =	simm.s32 $0x0;
	[sflag:s25] =	ssyncadd.s32 $0xFFFFF000  }
.LBB2_3:
0x40: {  	s6 =	sshll.u32 s4, $0xB  }
0x41: {  	s6 =	sand.u32 $0x3FFFF800, s6  }
0x42: {  	s10 =	sadd.s32 $0x2840, s6  }
0x43: {  	s17 =	sadd.s32 $0x1840, s6;
	v11 =	vld [tilespmem:s10+$0x20]  }
0x44: {  	s18 =	sadd.s32 $0x3840, s6;
	v13 =	vld [tilespmem:s17+$0xFFFFFFC0]  }
0x45: {  	v12 =	vld [tilespmem:s18+$0xFFFFFFC0]  }
0x46: {  	s19 =	sadd.s32 $0x840, s6;
	v14 =	vld [tilespmem:s10+$0xFFFFFFC0]  }
0x47: {  	v10 =	vld [tilespmem:s19+$0xFFFFFFD0]  }
0x48: {  	v15 =	vld [tilespmem:s17+$0xFFFFFFD0]  }
0x49: {  	v9 =	vld [tilespmem:s18+$0xFFFFFFD0]  }
0x4a: {  	v16 =	vld [tilespmem:s10+$0xFFFFFFD0]  }
0x4b: {  	v17 =	vld [tilespmem:s19+$0xFFFFFFE0]  }
0x4c: {  	v18 =	vld [tilespmem:s17+$0xFFFFFFE0]  }
0x4d: {  	v6 =	vld [tilespmem:s18+$0xFFFFFFE0]  }
0x4e: {  	v7 =	vld [tilespmem:s10+$0xFFFFFFE0]  }
0x4f: {  	v8 =	vld [tilespmem:s19+$0xFFFFFFF0]  }
0x50: {  	v19 =	vld [tilespmem:s17+$0xFFFFFFF0]  }
0x51: {  	v20 =	vld [tilespmem:s18+$0xFFFFFFF0]  }
0x52: {  	v21 =	vld [tilespmem:s10+$0xFFFFFFF0]  }
0x53: {  	v22 =	vld [tilespmem:s19+$0x0]  }
0x54: {  	v23 =	vld [tilespmem:s17+$0x0]  }
0x55: {  	v24 =	vld [tilespmem:s18+$0x0]  }
0x56: {  	v25 =	vld [tilespmem:s10+$0x30]  }
0x57: {  	v26 =	vld [tilespmem:s10+$0x0]  }
0x58: {  	v27 =	vld [tilespmem:s19+$0x10]  }
0x59: {  	v28 =	vld [tilespmem:s17+$0x10]  }
0x5a: {  	v29 =	vld [tilespmem:s18+$0x10]  }
0x5b: {  	v30 =	vld [tilespmem:s10+$0x10]  }
0x5c: {  	v31 =	vld [tilespmem:s19+$0x20]  }
0x5d: {  	v32 =	vld [tilespmem:s19+$0x30]  }
0x5e: {  	v33 =	vld [tilespmem:s17+$0x30]  }
0x5f: {  	v34 =	vld [tilespmem:s18+$0x30]  }
0x60: {  	v35 =	vld [tilespmem:s17+$0x20];
	s7 =	sadd.s32 $0x80, s10  }
0x61: {  	v61 =	vld [tilespmem:s7+$0x10];
	v20 =	vsub.f32 v20, v21  }
0x62: {  	v21 =	vadd.f32 v23, v22;
	v22 =	vld [tilespmem:s18+$0x20];
	v19 =	vadd.f32 v19, v8  }
0x63: {  	v23 =	vsub.f32 v24, v26;
	v24 =	vld [tilespmem:s19+$0xFFFFFFC0];
	v26 =	vsub.f32 v6, v7  }
0x64: {  	s17 =	sadd.s32 $0x80, s17;
	v8 =	vld [tilespmem:s7+$0x20];
	v17 =	vadd.f32 v18, v17;
	v16 =	vsub.f32 v9, v16  }
0x65: {  	v6 =	vld [tilespmem:s17+$0xFFFFFFC0];
	v15 =	vadd.f32 v15, v10;
	v14 =	vsub.f32 v12, v14  }
0x66: {  	v9 =	vld [tilespmem:s7+$0xFFFFFFC0];
	v19 =	vadd.f32 v20, v19;
	v20 =	vadd.f32 v23, v21  }
0x67: {  	s18 =	sadd.s32 $0x80, s18;
	v12 =	vld [tilespmem:s17+$0xFFFFFFD0];
	v21 =	vadd.f32 v28, v27;
	v23 =	vsub.f32 v29, v30  }
0x68: {  	s19 =	sadd.s32 $0x80, s19;
	v7 =	vld [tilespmem:s18+$0xFFFFFFC0];
	v15 =	vadd.f32 v16, v15;
	v16 =	vadd.f32 v26, v17  }
0x69: {  	v10 =	vld [tilespmem:s19+$0xFFFFFFD0];
	v18 =	vadd.f32 v23, v21;
	v21 =	vadd.f32 v33, v32  }
0x6a: {  	v26 =	vld [tilespmem:s19+$0xFFFFFFE0];
	v23 =	vsub.f32 v34, v25;
	v17 =	vand.u32 $0x7FFFFFFF, v19;
	v19 =	vadd.f32 v35, v31  }
0x6b: {  	v27 =	vld [tilespmem:s17+$0xFFFFFFE0];
	v11 =	vsub.f32 v22, v11;
	v13 =	vadd.f32 v13, v24  }
0x6c: {  	v28 =	vld [tilespmem:s7+$0x0];
	v15 =	vand.u32 $0x7FFFFFFF, v15;
	v16 =	vand.u32 $0x7FFFFFFF, v16;
	v21 =	vadd.f32 v23, v21  }
0x6d: {  	v29 =	vld [tilespmem:s19+$0x10];
	v18 =	vand.u32 $0x7FFFFFFF, v18;
	v11 =	vadd.f32 v11, v19;
	v13 =	vadd.f32 v14, v13  }
0x6e: {  	v30 =	vld [tilespmem:s17+$0x10];
	v14 =	vand.u32 $0x7FFFFFFF, v20;
	v15 =	vadd.f32 v18, v15;
	v20 =	vand.u32 $0x7FFFFFFF, v21  }
0x6f: {  	v25 =	vld [tilespmem:s7+$0xFFFFFFD0];
	v11 =	vand.u32 $0x7FFFFFFF, v11;
	v17 =	vadd.f32 v20, v17;
	v13 =	vand.u32 $0x7FFFFFFF, v13  }
0x70: {  	v31 =	vld [tilespmem:s18+$0x10];
	v11 =	vadd.f32 v11, v16;
	v13 =	vadd.f32 v14, v13  }
0x71: {  	v22 =	vld [tilespmem:s18+$0xFFFFFFD0]  }
0x72: {  	v23 =	vld [tilespmem:s17+$0x0];
	v13 =	vadd.f32 v15, v13;
	v11 =	vadd.f32 v17, v11  }
0x73: {  	v19 =	vld [tilespmem:s18+$0xFFFFFFE0]  }
0x74: {  	v18 =	vld [tilespmem:s7+$0xFFFFFFE0];
	v11 =	vadd.f32 v11, v13  }
0x75: {  	v21 =	vld [tilespmem:s7+$0xFFFFFFF0]  }
0x76: {  	v20 =	vld [tilespmem:s19+$0xFFFFFFF0];
	v15 =	vperm.xlane v11, v0  }
0x77: {  	v14 =	vld [tilespmem:s18+$0xFFFFFFF0]  }
0x78: {  	v17 =	vld [tilespmem:s19+$0x0];
	v11 =	vadd.f32 v11, v15  }
0x79: {  	v16 =	vld [tilespmem:s17+$0xFFFFFFF0]  }
0x7a: {  	v24 =	vld [tilespmem:s18+$0x0];
	v15 =	vperm.xlane v11, v1  }
0x7b: {  	v29 =	vadd.f32 v30, v29;
	v13 =	vld [tilespmem:s7+$0x30]  }
0x7c: {  	v14 =	vsub.f32 v14, v21;
	v21 =	vld [tilespmem:s19+$0x30];
	v62 =	vadd.f32 v11, v15  }
0x7d: {  	v30 =	vsub.f32 v31, v61;
	v63 =	vadd.f32 v23, v17;
	v23 =	vld [tilespmem:s17+$0x30]  }
0x7e: {  	v17 =	vsub.f32 v19, v18;
	v19 =	vld [tilespmem:s17+$0x20];
	v11 =	vadd.f32 v16, v20;
	v18 =	vperm.xlane v62, v2  }
0x7f: {  	v15 =	vld [tilespmem:s19+$0x20];
	v16 =	vsub.f32 v24, v28;
	v20 =	vadd.f32 v27, v26  }
0x80: {  	v24 =	vld [tilespmem:s18+$0x30];
	v14 =	vadd.f32 v14, v11;
	v18 =	vadd.f32 v62, v18  }
0x81: {  	s20 =	simm.s32 $0x1;
	p0 =	por p1, p1;
	v28 =	vld [tilespmem:s18+$0x20];
	v26 =	vsub.f32 v22, v25;
	v27 =	vadd.f32 v30, v29;
	v11 =	vimm.f32 $0.0e+00  }
0x82: {  	s28 =	simm.s32 $0x0;
	s10 =	simm.s32 $0x2;
	s6 =	sadd.s32 $0x80, s7;
	v22 =	vld [tilespmem:s19+$0xFFFFFFC0];
	v16 =	vadd.f32 v16, v63;
	v14 =	vand.u32 $0x7FFFFFFF, v14;
	v25 =	vperm.xlane v18, v3  }
.LBB2_4:
0x83: {  	v29 =	vld [tilespmem:s6+$0x20];
	v12 =	vadd.f32 v12, v10;
	s19 =	sadd.s32 $0x80, s19;
	s17 =	sadd.s32 $0x80, s17;
	s18 =	sadd.s32 $0x80, s18  }
0x84: {  	p1 =	sne.s32 s10, $0xF;
	v21 =	vadd.f32 v23, v21;
	s7 =	smov.u32 s10;
	s10 =	sadd.s32 $0x1, s10;
	v30 =	vld [tilespmem:s17+$0xFFFFFFC0];
	v10 =	vadd.f32 v18, v25  }
0x85: {  	v18 =	vsub.f32 v7, v9;
	v13 =	vsub.f32 v24, v13;
	v7 =	vld [tilespmem:s18+$0xFFFFFFC0]  }
0x86: {  	v9 =	vld [tilespmem:s6+$0xFFFFFFC0];
	v23 =	vsub.f32 v28, v8;
	v28 =	vmov s28;
	v24 =	vsub.f32 $2.400000000e+01, v10;
	s28 =	smov.u32 s20;
	s20 =	smov.u32 s7  }
0x87: {  	v25 =	vadd.f32 v26, v12;
	v26 =	vand.u32 $0x7FFFFFFF, v27;
	v10 =	vld [tilespmem:s19+$0xFFFFFFD0];
	vm0 =	veq.s32 v28, v4  }
0x88: {  	v17 =	vadd.f32 v17, v20;
	v15 =	vadd.f32 v19, v15;
	v12 =	vld [tilespmem:s17+$0xFFFFFFD0];
	v11 =	vsel vm0, v24, v11;
	v8 =	vmovc v29  }
0x89: {  	v13 =	vadd.f32 v13, v21;
	v19 =	vadd.f32 v6, v22;
	v20 =	vand.u32 $0x7FFFFFFF, v25;
	v27 =	vld [tilespmem:s18+$0xFFFFFFD0];
	v6 =	vmovc v30  }
0x8a: {  	v17 =	vand.u32 $0x7FFFFFFF, v17;
	v15 =	vadd.f32 v23, v15;
	v22 =	vld [tilespmem:s6+$0xFFFFFFD0]  }
0x8b: {  	v16 =	vand.u32 $0x7FFFFFFF, v16;
	v13 =	vand.u32 $0x7FFFFFFF, v13;
	v24 =	vld [tilespmem:s19+$0xFFFFFFE0]  }
0x8c: {  	v20 =	vadd.f32 v26, v20;
	v13 =	vadd.f32 v13, v14;
	v15 =	vand.u32 $0x7FFFFFFF, v15;
	v25 =	vld [tilespmem:s17+$0xFFFFFFE0]  }
0x8d: {  	v18 =	vadd.f32 v18, v19;
	v15 =	vadd.f32 v15, v17;
	v14 =	vld [tilespmem:s18+$0xFFFFFFE0]  }
0x8e: {  	v17 =	vld [tilespmem:s6+$0xFFFFFFE0]  }
0x8f: {  	v18 =	vand.u32 $0x7FFFFFFF, v18;
	v19 =	vld [tilespmem:s19+$0xFFFFFFF0]  }
0x90: {  	v16 =	vadd.f32 v16, v18;
	v21 =	vld [tilespmem:s17+$0xFFFFFFF0]  }
0x91: {  	v18 =	vld [tilespmem:s18+$0xFFFFFFF0]  }
0x92: {  	v13 =	vadd.f32 v13, v15;
	v16 =	vadd.f32 v20, v16;
	v23 =	vld [tilespmem:s6+$0xFFFFFFF0]  }
0x93: {  	v15 =	vld [tilespmem:s19+$0x0]  }
0x94: {  	v16 =	vadd.f32 v13, v16;
	v20 =	vld [tilespmem:s17+$0x0]  }
0x95: {  	v26 =	vld [tilespmem:s18+$0x0]  }
0x96: {  	v28 =	vperm.xlane v16, v0;
	v13 =	vld [tilespmem:s6+$0x30]  }
0x97: {  	v29 =	vld [tilespmem:s6+$0x0]  }
0x98: {  	v16 =	vadd.f32 v16, v28;
	v30 =	vld [tilespmem:s19+$0x10]  }
0x99: {  	v18 =	vsub.f32 v18, v23;
	v20 =	vadd.f32 v20, v15;
	v23 =	vld [tilespmem:s17+$0x10]  }
0x9a: {  	v31 =	vperm.xlane v16, v1;
	v28 =	vld [tilespmem:s18+$0x10]  }
0x9b: {  	v19 =	vadd.f32 v21, v19;
	v32 =	vld [tilespmem:s6+$0x10]  }
0x9c: {  	v26 =	vsub.f32 v26, v29;
	v15 =	vld [tilespmem:s19+$0x20];
	v29 =	vadd.f32 v16, v31  }
0x9d: {  	v17 =	vsub.f32 v14, v17;
	v14 =	vadd.f32 v18, v19;
	v21 =	vld [tilespmem:s19+$0x30]  }
.Ltmp0:
0x9e: {  	v16 =	vadd.f32 v26, v20;
	v30 =	vadd.f32 v23, v30;
	v23 =	vld [tilespmem:s17+$0x30];
	v18 =	vperm.xlane v29, v2;
	(pc) =	sbr.rel @p1 .LBB2_4-.Ltmp0, $4  }
0x9f: {  	v14 =	vand.u32 $0x7FFFFFFF, v14;
	v20 =	vadd.f32 v25, v24;
	v24 =	vld [tilespmem:s18+$0x30]  }
0xa0: {  	v25 =	vsub.f32 v28, v32;
	v19 =	vld [tilespmem:s17+$0x20];
	v18 =	vadd.f32 v29, v18  }
0xa1: {  	v26 =	vsub.f32 v27, v22;
	v28 =	vld [tilespmem:s18+$0x20]  }
0xa2: {  	s6 =	sadd.s32 $0x80, s6;
	v22 =	vld [tilespmem:s19+$0xFFFFFFC0];
	v27 =	vadd.f32 v25, v30;
	v25 =	vperm.xlane v18, v3  }
0xa3: {  	v10 =	vadd.f32 v12, v10  }
0xa4: {  	v58 =	vadd.f32 v23, v21;
	v7 =	vsub.f32 v7, v9  }
0xa5: {  	v60 =	vadd.f32 v17, v20;
	v59 =	vsub.f32 v24, v13  }
0xa6: {  	v10 =	vadd.f32 v26, v10;
	v15 =	vadd.f32 v19, v15  }
0xa7: {  	v8 =	vsub.f32 v28, v8;
	v6 =	vadd.f32 v6, v22  }
0xa8: {  	v61 =	vand.u32 $0x7FFFFFFF, v27;
	v62 =	vand.u32 $0x7FFFFFFF, v60;
	v9 =	vadd.f32 v59, v58  }
0xa9: {  	v10 =	vand.u32 $0x7FFFFFFF, v10;
	v8 =	vadd.f32 v8, v15;
	v6 =	vadd.f32 v7, v6  }
0xaa: {  	v9 =	vand.u32 $0x7FFFFFFF, v9;
	v10 =	vadd.f32 v61, v10;
	v7 =	vand.u32 $0x7FFFFFFF, v16  }
0xab: {  	v9 =	vadd.f32 v9, v14;
	v8 =	vand.u32 $0x7FFFFFFF, v8;
	v6 =	vand.u32 $0x7FFFFFFF, v6  }
0xac: {  	v8 =	vadd.f32 v8, v62;
	v6 =	vadd.f32 v7, v6;
	_ =	sdelay $0x1  }
0xad: {  	v7 =	vadd.f32 v9, v8;
	v6 =	vadd.f32 v10, v6;
	_ =	sdelay $0x1  }
0xae: {  	v6 =	vadd.f32 v7, v6;
	_ =	sdelay $0x1  }
0xaf: {  	v7 =	vperm.xlane v6, v0;
	_ =	sdelay $0x1  }
0xb0: {  	v6 =	vadd.f32 v6, v7;
	_ =	sdelay $0x1  }
0xb1: {  	v7 =	vperm.xlane v6, v1;
	_ =	sdelay $0x1  }
0xb2: {  	v6 =	vadd.f32 v6, v7;
	_ =	sdelay $0x1  }
0xb3: {  	v7 =	vperm.xlane v6, v2;
	_ =	sdelay $0x1  }
0xb4: {  	v6 =	vadd.f32 v6, v7;
	_ =	sdelay $0x1  }
0xb5: {  	v7 =	vperm.xlane v6, v3  }
0xb6: {  	v63 =	vadd.f32 v18, v25  }
0xb7: {  	v6 =	vadd.f32 v6, v7  }
.Ltmp1:
0xb8: {  	v8 =	vsub.f32 $2.400000000e+01, v63;
	v7 =	vmov s28;
	(pc) =	sbr.rel @p0 .LBB2_3-.Ltmp1, $4  }
0xb9: {  	vm0 =	veq.s32 v7, v4;
	v7 =	vmov s20;
	v6 =	vsub.f32 $2.400000000e+01, v6  }
0xba: {  	s4 =	sshll.u32 s4, $0x4;
	v8 =	vsel vm0, v8, v11;
	vm15 =	veq.s32 v7, v4  }
0xbb: {  	s4 =	sand.u32 $0x3FFFFFF0, s4;
	v6 =	vsel vm15, v6, v8  }
0xbc: {  	p1 =	por $0x0, $0x0;
	[tilespmem:v5+s4+$0x0 ss:$0x1] =	vst.idx.msk $0xffff, v6;
	s4 =	simm.s32 $0x1  }
0xbd: {  	p0 =	seq.s32 s30, $0x7  }
0xbe: {  	s4 =	sadd.s32 @!p0 $0x40, s0;
	s6 =	simm.s32 @!p0 $0x20;
	s7 =	simm.s32 @!p0 $0x800  }
0xbf: {  	[tilespmem:s7], [sflag:$0x1] =	stream.indirect.gather @!p0 [hbm4b:s1+s6], $0x80, s4, s6, $0xb8;
	[tilespmem:$0x8A00] =	vst v63  }
0xc0: {  	s4 =	sadd.s32 @!p0 $0x440, s0;
	s7 =	simm.s32 @!p0 $0x2800  }
0xc1: {  	[tilespmem:s7], [sflag:$0x1] =	stream.indirect.gather @!p0 [hbm4b:s1+s6], $0x80, s4, s6, $0xb8;
	[tilespmem:$0x8A00] =	vst v63  }
0xc2: {  	s4 =	sadd.s32 @!p0 $0x240, s0;
	s7 =	simm.s32 @!p0 $0x1800  }
0xc3: {  	[tilespmem:s7], [sflag:$0x1] =	stream.indirect.gather @!p0 [hbm4b:s2+s6], $0x80, s4, s6, $0xb8;
	[tilespmem:$0x8A00] =	vst v63  }
0xc4: {  	s0 =	sadd.s32 @!p0 $0x640, s0;
	s4 =	simm.s32 @!p0 $0x3800  }
0xc5: {  	[tilespmem:s4], [sflag:$0x1] =	stream.indirect.gather @!p0 [hbm4b:s3+s6], $0x80, s0, s6, $0xb8;
	[tilespmem:$0x8A00] =	vst v63  }
0xc6: {  	_ =	swait.ge [sflag:s26], $0x1000  }
0xc7: {  	[sflag:s26] =	ssyncset.done $0x0  }
0xc8: {  	[sflag:s26] =	ssyncadd.s32 $0xFFFFF000  }
0xc9: {  	_ =	swait.ge [sflag:s26], $0x1000  }
0xca: {  	[sflag:s26] =	ssyncset.done $0x0  }
0xcb: {  	[sflag:s26] =	ssyncadd.s32 $0xFFFFF000  }
0xcc: {  	_ =	swait.ge [sflag:s26], $0x1000  }
0xcd: {  	[sflag:s26] =	ssyncset.done $0x0  }
0xce: {  	[sflag:s26] =	ssyncadd.s32 $0xFFFFF000  }
0xcf: {  	_ =	swait.ge [sflag:s26], $0x1000  }
0xd0: {  	s31 =	sadd.s32 $0x8800, s31;
	[sflag:s26] =	ssyncset.done $0x0  }
0xd1: {  	p1 =	por $0x1, $0x1;
	v5 =	vmov s31;
	s0 =	simm.s32 $0x0;
	[sflag:s26] =	ssyncadd.s32 $0xFFFFF000  }
.LBB2_7:
0xd2: {  	s4 =	sshll.u32 s0, $0xB  }
0xd3: {  	s4 =	sand.u32 $0x3FFFF800, s4  }
0xd4: {  	s6 =	sadd.s32 $0x6840, s4  }
0xd5: {  	s7 =	sadd.s32 $0x5840, s4;
	v11 =	vld [tilespmem:s6+$0x20]  }
0xd6: {  	s10 =	sadd.s32 $0x7840, s4;
	v13 =	vld [tilespmem:s7+$0xFFFFFFC0]  }
0xd7: {  	v12 =	vld [tilespmem:s10+$0xFFFFFFC0]  }
0xd8: {  	s18 =	sadd.s32 $0x4840, s4;
	v14 =	vld [tilespmem:s6+$0xFFFFFFC0]  }
0xd9: {  	v10 =	vld [tilespmem:s18+$0xFFFFFFD0]  }
0xda: {  	v15 =	vld [tilespmem:s7+$0xFFFFFFD0]  }
0xdb: {  	v9 =	vld [tilespmem:s10+$0xFFFFFFD0]  }
0xdc: {  	v16 =	vld [tilespmem:s6+$0xFFFFFFD0]  }
0xdd: {  	v17 =	vld [tilespmem:s18+$0xFFFFFFE0]  }
0xde: {  	v18 =	vld [tilespmem:s7+$0xFFFFFFE0]  }
0xdf: {  	v6 =	vld [tilespmem:s10+$0xFFFFFFE0]  }
0xe0: {  	v7 =	vld [tilespmem:s6+$0xFFFFFFE0]  }
0xe1: {  	v8 =	vld [tilespmem:s18+$0xFFFFFFF0]  }
0xe2: {  	v19 =	vld [tilespmem:s7+$0xFFFFFFF0]  }
0xe3: {  	v20 =	vld [tilespmem:s10+$0xFFFFFFF0]  }
0xe4: {  	v21 =	vld [tilespmem:s6+$0xFFFFFFF0]  }
0xe5: {  	v22 =	vld [tilespmem:s18+$0x0]  }
0xe6: {  	v23 =	vld [tilespmem:s7+$0x0]  }
0xe7: {  	v24 =	vld [tilespmem:s10+$0x0]  }
0xe8: {  	v25 =	vld [tilespmem:s6+$0x30]  }
0xe9: {  	v26 =	vld [tilespmem:s6+$0x0]  }
0xea: {  	v27 =	vld [tilespmem:s18+$0x10]  }
0xeb: {  	v28 =	vld [tilespmem:s7+$0x10]  }
0xec: {  	v29 =	vld [tilespmem:s10+$0x10]  }
0xed: {  	v30 =	vld [tilespmem:s6+$0x10]  }
0xee: {  	v31 =	vld [tilespmem:s18+$0x20]  }
0xef: {  	v32 =	vld [tilespmem:s18+$0x30]  }
0xf0: {  	v33 =	vld [tilespmem:s7+$0x30]  }
0xf1: {  	v34 =	vld [tilespmem:s10+$0x30]  }
0xf2: {  	v35 =	vld [tilespmem:s7+$0x20];
	s6 =	sadd.s32 $0x80, s6  }
0xf3: {  	v61 =	vld [tilespmem:s6+$0x10];
	v20 =	vsub.f32 v20, v21  }
0xf4: {  	v21 =	vadd.f32 v23, v22;
	v22 =	vld [tilespmem:s10+$0x20];
	v19 =	vadd.f32 v19, v8  }
0xf5: {  	v23 =	vsub.f32 v24, v26;
	v24 =	vld [tilespmem:s18+$0xFFFFFFC0];
	v26 =	vsub.f32 v6, v7  }
0xf6: {  	s4 =	sadd.s32 $0x80, s7;
	v8 =	vld [tilespmem:s6+$0x20];
	v17 =	vadd.f32 v18, v17;
	v16 =	vsub.f32 v9, v16  }
0xf7: {  	s17 =	sadd.s32 $0x80, s10;
	v6 =	vld [tilespmem:s4+$0xFFFFFFC0];
	v15 =	vadd.f32 v15, v10;
	v14 =	vsub.f32 v12, v14  }
0xf8: {  	v7 =	vld [tilespmem:s17+$0xFFFFFFC0];
	v19 =	vadd.f32 v20, v19;
	v20 =	vadd.f32 v23, v21  }
0xf9: {  	v9 =	vld [tilespmem:s6+$0xFFFFFFC0];
	v21 =	vadd.f32 v28, v27;
	v23 =	vsub.f32 v29, v30  }
0xfa: {  	s18 =	sadd.s32 $0x80, s18;
	v12 =	vld [tilespmem:s4+$0xFFFFFFD0];
	v15 =	vadd.f32 v16, v15;
	v16 =	vadd.f32 v26, v17  }
0xfb: {  	v10 =	vld [tilespmem:s18+$0xFFFFFFD0];
	v18 =	vadd.f32 v23, v21;
	v21 =	vadd.f32 v33, v32  }
0xfc: {  	v26 =	vld [tilespmem:s18+$0xFFFFFFE0];
	v23 =	vsub.f32 v34, v25;
	v17 =	vand.u32 $0x7FFFFFFF, v19;
	v19 =	vadd.f32 v35, v31  }
0xfd: {  	v27 =	vld [tilespmem:s4+$0xFFFFFFE0];
	v11 =	vsub.f32 v22, v11;
	v13 =	vadd.f32 v13, v24  }
0xfe: {  	v28 =	vld [tilespmem:s6+$0x0];
	v15 =	vand.u32 $0x7FFFFFFF, v15;
	v16 =	vand.u32 $0x7FFFFFFF, v16;
	v21 =	vadd.f32 v23, v21  }
0xff: {  	v29 =	vld [tilespmem:s18+$0x10];
	v18 =	vand.u32 $0x7FFFFFFF, v18;
	v11 =	vadd.f32 v11, v19;
	v13 =	vadd.f32 v14, v13  }
0x100: {  	v30 =	vld [tilespmem:s4+$0x10];
	v14 =	vand.u32 $0x7FFFFFFF, v20;
	v15 =	vadd.f32 v18, v15;
	v20 =	vand.u32 $0x7FFFFFFF, v21  }
0x101: {  	v25 =	vld [tilespmem:s6+$0xFFFFFFD0];
	v11 =	vand.u32 $0x7FFFFFFF, v11;
	v17 =	vadd.f32 v20, v17;
	v13 =	vand.u32 $0x7FFFFFFF, v13  }
0x102: {  	v31 =	vld [tilespmem:s17+$0x10];
	v11 =	vadd.f32 v11, v16;
	v13 =	vadd.f32 v14, v13  }
0x103: {  	v22 =	vld [tilespmem:s17+$0xFFFFFFD0]  }
0x104: {  	v23 =	vld [tilespmem:s4+$0x0];
	v13 =	vadd.f32 v15, v13;
	v11 =	vadd.f32 v17, v11  }
0x105: {  	v19 =	vld [tilespmem:s17+$0xFFFFFFE0]  }
0x106: {  	v18 =	vld [tilespmem:s6+$0xFFFFFFE0];
	v11 =	vadd.f32 v11, v13  }
0x107: {  	v21 =	vld [tilespmem:s6+$0xFFFFFFF0]  }
0x108: {  	v20 =	vld [tilespmem:s18+$0xFFFFFFF0];
	v15 =	vperm.xlane v11, v0  }
0x109: {  	v14 =	vld [tilespmem:s17+$0xFFFFFFF0]  }
0x10a: {  	v17 =	vld [tilespmem:s18+$0x0];
	v11 =	vadd.f32 v11, v15  }
0x10b: {  	v16 =	vld [tilespmem:s4+$0xFFFFFFF0]  }
0x10c: {  	v24 =	vld [tilespmem:s17+$0x0];
	v15 =	vperm.xlane v11, v1  }
0x10d: {  	v29 =	vadd.f32 v30, v29;
	v13 =	vld [tilespmem:s6+$0x30]  }
0x10e: {  	v14 =	vsub.f32 v14, v21;
	v21 =	vld [tilespmem:s18+$0x30];
	v62 =	vadd.f32 v11, v15  }
0x10f: {  	v30 =	vsub.f32 v31, v61;
	v63 =	vadd.f32 v23, v17;
	v23 =	vld [tilespmem:s4+$0x30]  }
0x110: {  	v17 =	vsub.f32 v19, v18;
	v19 =	vld [tilespmem:s4+$0x20];
	v11 =	vadd.f32 v16, v20;
	v18 =	vperm.xlane v62, v2  }
0x111: {  	v15 =	vld [tilespmem:s18+$0x20];
	v16 =	vsub.f32 v24, v28;
	v20 =	vadd.f32 v27, v26  }
0x112: {  	v24 =	vld [tilespmem:s17+$0x30];
	v14 =	vadd.f32 v14, v11;
	v18 =	vadd.f32 v62, v18  }
0x113: {  	s19 =	simm.s32 $0x1;
	p0 =	por p1, p1;
	v28 =	vld [tilespmem:s17+$0x20];
	v26 =	vsub.f32 v22, v25;
	v27 =	vadd.f32 v30, v29;
	v11 =	vimm.f32 $0.0e+00  }
0x114: {  	s20 =	simm.s32 $0x0;
	s10 =	simm.s32 $0x2;
	s6 =	sadd.s32 $0x80, s6;
	v22 =	vld [tilespmem:s18+$0xFFFFFFC0];
	v16 =	vadd.f32 v16, v63;
	v14 =	vand.u32 $0x7FFFFFFF, v14;
	v25 =	vperm.xlane v18, v3  }
.LBB2_8:
0x115: {  	v29 =	vld [tilespmem:s6+$0x20];
	v12 =	vadd.f32 v12, v10;
	s18 =	sadd.s32 $0x80, s18;
	s4 =	sadd.s32 $0x80, s4;
	s17 =	sadd.s32 $0x80, s17  }
0x116: {  	p1 =	sne.s32 s10, $0xF;
	v21 =	vadd.f32 v23, v21;
	s7 =	smov.u32 s10;
	s10 =	sadd.s32 $0x1, s10;
	v30 =	vld [tilespmem:s4+$0xFFFFFFC0];
	v10 =	vadd.f32 v18, v25  }
0x117: {  	v18 =	vsub.f32 v7, v9;
	v13 =	vsub.f32 v24, v13;
	v7 =	vld [tilespmem:s17+$0xFFFFFFC0]  }
0x118: {  	v9 =	vld [tilespmem:s6+$0xFFFFFFC0];
	v23 =	vsub.f32 v28, v8;
	v28 =	vmov s20;
	v24 =	vsub.f32 $2.400000000e+01, v10;
	s20 =	smov.u32 s19;
	s19 =	smov.u32 s7  }
0x119: {  	v25 =	vadd.f32 v26, v12;
	v26 =	vand.u32 $0x7FFFFFFF, v27;
	v10 =	vld [tilespmem:s18+$0xFFFFFFD0];
	vm0 =	veq.s32 v28, v4  }
0x11a: {  	v17 =	vadd.f32 v17, v20;
	v15 =	vadd.f32 v19, v15;
	v12 =	vld [tilespmem:s4+$0xFFFFFFD0];
	v11 =	vsel vm0, v24, v11;
	v8 =	vmovc v29  }
0x11b: {  	v13 =	vadd.f32 v13, v21;
	v19 =	vadd.f32 v6, v22;
	v20 =	vand.u32 $0x7FFFFFFF, v25;
	v27 =	vld [tilespmem:s17+$0xFFFFFFD0];
	v6 =	vmovc v30  }
0x11c: {  	v17 =	vand.u32 $0x7FFFFFFF, v17;
	v15 =	vadd.f32 v23, v15;
	v22 =	vld [tilespmem:s6+$0xFFFFFFD0]  }
0x11d: {  	v16 =	vand.u32 $0x7FFFFFFF, v16;
	v13 =	vand.u32 $0x7FFFFFFF, v13;
	v24 =	vld [tilespmem:s18+$0xFFFFFFE0]  }
0x11e: {  	v20 =	vadd.f32 v26, v20;
	v13 =	vadd.f32 v13, v14;
	v15 =	vand.u32 $0x7FFFFFFF, v15;
	v25 =	vld [tilespmem:s4+$0xFFFFFFE0]  }
0x11f: {  	v18 =	vadd.f32 v18, v19;
	v15 =	vadd.f32 v15, v17;
	v14 =	vld [tilespmem:s17+$0xFFFFFFE0]  }
0x120: {  	v17 =	vld [tilespmem:s6+$0xFFFFFFE0]  }
0x121: {  	v18 =	vand.u32 $0x7FFFFFFF, v18;
	v19 =	vld [tilespmem:s18+$0xFFFFFFF0]  }
0x122: {  	v16 =	vadd.f32 v16, v18;
	v21 =	vld [tilespmem:s4+$0xFFFFFFF0]  }
0x123: {  	v18 =	vld [tilespmem:s17+$0xFFFFFFF0]  }
0x124: {  	v13 =	vadd.f32 v13, v15;
	v16 =	vadd.f32 v20, v16;
	v23 =	vld [tilespmem:s6+$0xFFFFFFF0]  }
0x125: {  	v15 =	vld [tilespmem:s18+$0x0]  }
0x126: {  	v16 =	vadd.f32 v13, v16;
	v20 =	vld [tilespmem:s4+$0x0]  }
0x127: {  	v26 =	vld [tilespmem:s17+$0x0]  }
0x128: {  	v28 =	vperm.xlane v16, v0;
	v13 =	vld [tilespmem:s6+$0x30]  }
0x129: {  	v29 =	vld [tilespmem:s6+$0x0]  }
0x12a: {  	v16 =	vadd.f32 v16, v28;
	v30 =	vld [tilespmem:s18+$0x10]  }
0x12b: {  	v18 =	vsub.f32 v18, v23;
	v20 =	vadd.f32 v20, v15;
	v23 =	vld [tilespmem:s4+$0x10]  }
0x12c: {  	v31 =	vperm.xlane v16, v1;
	v28 =	vld [tilespmem:s17+$0x10]  }
0x12d: {  	v19 =	vadd.f32 v21, v19;
	v32 =	vld [tilespmem:s6+$0x10]  }
0x12e: {  	v26 =	vsub.f32 v26, v29;
	v15 =	vld [tilespmem:s18+$0x20];
	v29 =	vadd.f32 v16, v31  }
0x12f: {  	v17 =	vsub.f32 v14, v17;
	v14 =	vadd.f32 v18, v19;
	v21 =	vld [tilespmem:s18+$0x30]  }
.Ltmp2:
0x130: {  	v16 =	vadd.f32 v26, v20;
	v30 =	vadd.f32 v23, v30;
	v23 =	vld [tilespmem:s4+$0x30];
	v18 =	vperm.xlane v29, v2;
	(pc) =	sbr.rel @p1 .LBB2_8-.Ltmp2, $4  }
0x131: {  	v14 =	vand.u32 $0x7FFFFFFF, v14;
	v20 =	vadd.f32 v25, v24;
	v24 =	vld [tilespmem:s17+$0x30]  }
0x132: {  	v25 =	vsub.f32 v28, v32;
	v19 =	vld [tilespmem:s4+$0x20];
	v18 =	vadd.f32 v29, v18  }
0x133: {  	v26 =	vsub.f32 v27, v22;
	v28 =	vld [tilespmem:s17+$0x20]  }
0x134: {  	s6 =	sadd.s32 $0x80, s6;
	v22 =	vld [tilespmem:s18+$0xFFFFFFC0];
	v27 =	vadd.f32 v25, v30;
	v25 =	vperm.xlane v18, v3  }
0x135: {  	v10 =	vadd.f32 v12, v10  }
0x136: {  	v58 =	vadd.f32 v23, v21;
	v7 =	vsub.f32 v7, v9  }
0x137: {  	v60 =	vadd.f32 v17, v20;
	v59 =	vsub.f32 v24, v13  }
0x138: {  	v10 =	vadd.f32 v26, v10;
	v15 =	vadd.f32 v19, v15  }
0x139: {  	v8 =	vsub.f32 v28, v8;
	v6 =	vadd.f32 v6, v22  }
0x13a: {  	v61 =	vand.u32 $0x7FFFFFFF, v27;
	v62 =	vand.u32 $0x7FFFFFFF, v60;
	v9 =	vadd.f32 v59, v58  }
0x13b: {  	v10 =	vand.u32 $0x7FFFFFFF, v10;
	v8 =	vadd.f32 v8, v15;
	v6 =	vadd.f32 v7, v6  }
0x13c: {  	v9 =	vand.u32 $0x7FFFFFFF, v9;
	v10 =	vadd.f32 v61, v10;
	v7 =	vand.u32 $0x7FFFFFFF, v16  }
0x13d: {  	v9 =	vadd.f32 v9, v14;
	v8 =	vand.u32 $0x7FFFFFFF, v8;
	v6 =	vand.u32 $0x7FFFFFFF, v6  }
0x13e: {  	v8 =	vadd.f32 v8, v62;
	v6 =	vadd.f32 v7, v6;
	_ =	sdelay $0x1  }
0x13f: {  	v7 =	vadd.f32 v9, v8;
	v6 =	vadd.f32 v10, v6;
	_ =	sdelay $0x1  }
0x140: {  	v6 =	vadd.f32 v7, v6;
	_ =	sdelay $0x1  }
0x141: {  	v7 =	vperm.xlane v6, v0;
	_ =	sdelay $0x1  }
0x142: {  	v6 =	vadd.f32 v6, v7;
	_ =	sdelay $0x1  }
0x143: {  	v7 =	vperm.xlane v6, v1;
	_ =	sdelay $0x1  }
0x144: {  	v6 =	vadd.f32 v6, v7;
	_ =	sdelay $0x1  }
0x145: {  	v7 =	vperm.xlane v6, v2;
	_ =	sdelay $0x1  }
0x146: {  	v6 =	vadd.f32 v6, v7;
	_ =	sdelay $0x1  }
0x147: {  	v7 =	vperm.xlane v6, v3  }
0x148: {  	v63 =	vadd.f32 v18, v25  }
0x149: {  	v6 =	vadd.f32 v6, v7  }
.Ltmp3:
0x14a: {  	v8 =	vsub.f32 $2.400000000e+01, v63;
	v7 =	vmov s20;
	(pc) =	sbr.rel @p0 .LBB2_7-.Ltmp3, $4  }
0x14b: {  	vm0 =	veq.s32 v7, v4;
	v7 =	vmov s19;
	v6 =	vsub.f32 $2.400000000e+01, v6  }
0x14c: {  	s0 =	sshll.u32 s0, $0x4;
	v8 =	vsel vm0, v8, v11;
	vm15 =	veq.s32 v7, v4  }
0x14d: {  	s0 =	sand.u32 $0x3FFFFFF0, s0;
	v6 =	vsel vm15, v6, v8  }
0x14e: {  	p1 =	por $0x0, $0x0;
	[tilespmem:v5+s0+$0x0 ss:$0x1] =	vst.idx.msk $0xffff, v6;
	s0 =	simm.s32 $0x1  }
0x14f: {  	s30 =	sadd.s32 $0x1, s30  }
0x150: {  	p0 =	sne.s32 s30, $0x8  }
.Ltmp4:
0x151: {  	_ = 	snop;
	(pc) =	sbr.rel @p0 .LBB2_2-.Ltmp4, $1  }
0x152: {  	_ =	sdelay $0x3  }
0x153: {  	s29 =	sadd.s32 $0x1, s29  }
0x154: {  	p0 =	sne.s32 s29, s12  }
.Ltmp5:
0x155: {  	s0 =	simm.s32 $0x8800;
	(pc) =	sbr.rel @p0 .LBB2_1-.Ltmp5, $4  }
0x156: {  	[hbm4b:s11+s5] =	stream.linear.scatter [tilespmem:s0], [sflag:$0x3], $0x200, $0x38;
	[tilespmem:$0x8A00] =	vst v63  }
0x157: {  	_ =	swait.ge [sflag:s13], $0x200  }
0x158: {  	[sflag:s13] =	ssyncset.done $0x0  }
0x159: {  	[sflag:s13] =	ssyncadd.s32 $0xFFFFFE00  }
0x15a: {  	_ =	sfence.sel $0x180000  }
0x15b: {  	[bflag:$0x0] =	sbarrier.arrive $0xFFFF  }
0x15c: {  	_ =	strace $0x90000047  }
0x15d: {  	s0 =	stileid.u32;
	[bflag:$0x2] =	sbarrier.arrive $0xFFFF  }
0x15e: {  	p0 =	sne.s32 s0, $0x0;
	s0 =	rddreg [dreg:$0x8]  }
0x15f: {  	s0 =	sadd.s32 @!p0 $0x100000, s0  }
0x160: {  	[sflag:s0] =	ssyncadd.tile.s32 @!p0 $0x1;
	_ =	shalt  }
.Lfunc_end2:
_tile_overlayer_lowered:
.L_overlay_start_2:
0x161: {  	(tag) =	ssettag $0x2  }
0x162: {  	s0 =	rddreg [dreg:$0x0];
	s2 =	stileid.u32  }
0x163: {  	s1 =	rddreg [dreg:$0x1];
	p0 =	sne.s32 s2, $0x0  }
0x164: {  	s3 =	rddreg [dreg:$0x2];
	[bflag:$0x3] =	sbarrier.arrive $0xFFFF;
	s2 =	simm.s32 @!p0 $0x1C03  }
0x165: {  	[timem:s3], [sflag:s2] =	dma.local @!p0 [hbm:s0], s1  }
0x166: {  	s0 =	simm.s32 @!p0 $0x3  }
0x167: {  	_ =	swait.ge @!p0 [sflag:s0], s1  }
0x168: {  	s1 =	ssub.s32 @!p0 $0x0, s1;
	[sflag:s0] =	ssyncset.done @!p0 $0x0  }
0x169: {  	[sflag:s0] =	ssyncadd.s32 @!p0 s1  }
0x16a: {  	[bflag:$0x3] =	sbarrier.arrive $0xFFFF  }
0x16b: {  	_ =	shalt  }

</sc_bundles>
